<compile_context>
chip_gen: v7x
topology: tpu7x:2x2x1
jax: 0.10.2.dev20260603
libtpu: 0.0.44.dev20260713+nightly
codegen_flags: <defaults>
</compile_context>

<pallas_src>
import functools

import jax
import jax.numpy as jnp
from jax import lax
from jax.experimental import pallas as pl
from jax.experimental.pallas import tpu as pltpu
from jax.experimental.pallas import tpu_sc as plsc

ALPHA = 0.01
D = 128
NPAD = 10240
NW = 32
NSUB = 16
CH = 128
A_SZ = NPAD * NPAD
DEGSZ = NPAD + 256

_SC_MESH = plsc.VectorSubcoreMesh(core_axis_name="c", subcore_axis_name="s")
_SC_MESH1 = plsc.VectorSubcoreMesh(core_axis_name="c", subcore_axis_name="s",
                                   num_cores=1)



def _make_k1(nch):
    @functools.partial(
        pl.kernel,
        out_type=jax.ShapeDtypeStruct((NSUB, DEGSZ), jnp.float32),
        mesh=_SC_MESH1,
        scratch_types=[
            pltpu.VMEM((nch, CH), jnp.int32),
            pltpu.VMEM((nch, CH), jnp.int32),
            pltpu.VMEM((CH,), jnp.float32),
            pltpu.VMEM((DEGSZ,), jnp.float32),
            pltpu.SemaphoreType.DMA,
        ],
        compiler_params=pltpu.CompilerParams(needs_layout_passes=False),
    )
    def k1(a_ref, flat_hbm, dst_hbm, ones_hbm, zeros_hbm, deg_out,
           idx_v, dstc_v, ones_v, degbuf_v, sem):
        wid = lax.axis_index("s")
        pltpu.sync_copy(flat_hbm.at[wid], idx_v)
        pltpu.sync_copy(dst_hbm.at[wid], dstc_v)
        pltpu.sync_copy(ones_hbm, ones_v)
        pltpu.sync_copy(zeros_hbm, degbuf_v)
        ones16 = jnp.full((16,), 1.0, jnp.float32)

        def fire(j, carry):
            pltpu.async_copy(ones_v, a_ref.at[idx_v.at[j]], sem)

            def hist(t, c2):
                idx16 = dstc_v[j, pl.ds(t * 16, 16)]
                plsc.addupdate_scatter(degbuf_v, [idx16], ones16)
                return c2

            lax.fori_loop(0, CH // 16, hist, 0)
            return carry

        lax.fori_loop(0, nch, fire, 0)

        def drain(j, carry):
            pltpu.make_async_copy(ones_v, a_ref.at[idx_v.at[j]], sem).wait()
            return carry

        lax.fori_loop(0, nch, drain, 0)
        pltpu.sync_copy(degbuf_v, deg_out.at[wid])

    return k1


def _make_k2(nch):
    rows_sh = NPAD + 256
    zr = rows_sh // NSUB
    osl = NPAD // NSUB

    @functools.partial(
        pl.kernel,
        out_type=jax.ShapeDtypeStruct((2, NPAD, D), jnp.float32),
        mesh=_SC_MESH,
    scratch_types=[
            pltpu.VMEM((nch, CH), jnp.int32),
            pltpu.VMEM((nch, CH), jnp.int32),
            pltpu.VMEM((2, CH, D), jnp.float32),
            pltpu.VMEM_SHARED((rows_sh, D), jnp.float32),
            pltpu.SemaphoreType.DMA,
            pltpu.SemaphoreType.DMA,
        ],
    )
    def k2(u1_hbm, src_hbm, dst_hbm, zrows_hbm, acc_out,
           src_v, dstc_v, rows_v, acc_sh, sem0, sem1):
        cid = lax.axis_index("c")
        sid = lax.axis_index("s")
        wid = sid * 2 + cid
        pltpu.sync_copy(src_hbm.at[wid], src_v)
        pltpu.sync_copy(dst_hbm.at[wid], dstc_v)
        pltpu.sync_copy(zrows_hbm, rows_v.at[0])
        base = sid * zr

        def zbody(t, carry):
            pltpu.sync_copy(rows_v.at[0], acc_sh.at[pl.ds(base + t * CH, CH)])
            return carry

        lax.fori_loop(0, zr // CH, zbody, 0)
        pltpu.sync_copy(rows_v.at[0].at[pl.ds(0, zr % CH)],
                        acc_sh.at[pl.ds(base + (zr // CH) * CH, zr % CH)])
        plsc.subcore_barrier()

        pltpu.async_copy(u1_hbm.at[src_v.at[0]], rows_v.at[0], sem0)

        def body(t, carry):
            j0 = 2 * t
            j1 = 2 * t + 1
            pltpu.async_copy(u1_hbm.at[src_v.at[j1]], rows_v.at[1], sem1)
            pltpu.make_async_copy(u1_hbm.at[src_v.at[j0]], rows_v.at[0],
                                  sem0).wait()
            pltpu.sync_copy(rows_v.at[0], acc_sh.at[dstc_v.at[j0]], add=True)

            @pl.when(j0 + 2 < nch)
            def _():
                pltpu.async_copy(u1_hbm.at[src_v.at[j0 + 2]], rows_v.at[0],
                                 sem0)

            pltpu.make_async_copy(u1_hbm.at[src_v.at[j1]], rows_v.at[1],
                                  sem1).wait()
            pltpu.sync_copy(rows_v.at[1], acc_sh.at[dstc_v.at[j1]], add=True)
            return carry

        lax.fori_loop(0, nch // 2, body, 0)
        plsc.subcore_barrier()
        obase = sid * osl

        def obody(t, carry):
            pltpu.sync_copy(acc_sh.at[pl.ds(obase + t * CH, CH)],
                            rows_v.at[0])
            pltpu.sync_copy(rows_v.at[0],
                            acc_out.at[cid].at[pl.ds(obase + t * CH, CH)])
            return carry

        lax.fori_loop(0, osl // CH, obody, 0)

    return k2



_RB = 1024
_TB4 = 1024


def _k1c_body(a_ref, o_ref):
    o_ref[...] = a_ref[...].astype(jnp.float8_e4m3fn)


def _k3_body(x_ref, wc_ref, degp_ref, u1_ref, xw2_ref):
    xw = jnp.dot(x_ref[...], wc_ref[...], preferred_element_type=jnp.float32)
    dp = degp_ref[...]
    dinv = lax.rsqrt(jnp.sum(dp, axis=0) + 1.0)[:, None]
    u1_ref[...] = xw[:, :D] * dinv
    xw2_ref[...] = xw[:, D:]


def _k4_body(a_ik, a_kj, b_out, csum):
    i = pl.program_id(1)
    acc = jnp.dot(a_ik[...], a_kj[...], preferred_element_type=jnp.float32)
    m = acc > 0.0
    b_out[...] = m.astype(jnp.float8_e4m3fn)
    c = jnp.sum(m.astype(jnp.float32), axis=0, keepdims=True)
    cb = jnp.broadcast_to(c, (8, _TB4))

    @pl.when(i == 0)
    def _():
        csum[...] = cb

    @pl.when(i != 0)
    def _():
        csum[...] = csum[...] + cb


def _k5a_body(cs_ref, xw2_ref, u2_ref):
    cs = cs_ref[...]
    dinv2 = lax.rsqrt(cs[0] + 1.0)[:, None]
    u2_ref[...] = (xw2_ref[...] * dinv2).astype(jnp.bfloat16)


def _k5_body(b_ref, u2_ref, o_ref):
    i = pl.program_id(1)
    prod = lax.dot_general(b_ref[...], u2_ref[...].astype(jnp.float8_e4m3fn),
                           (((0,), (0,)), ((), ())),
                           preferred_element_type=jnp.float32)

    @pl.when(i == 0)
    def _():
        o_ref[...] = prod

    @pl.when(i != 0)
    def _():
        o_ref[...] = o_ref[...] + prod


def _k6_body(degp_ref, acc1_ref, u1_ref, cs_ref, acc2_ref, u2_ref,
             b1_ref, b2_ref, o_ref):
    dp = degp_ref[...]
    dinv1 = lax.rsqrt(jnp.sum(dp, axis=0) + 1.0)[:, None]
    a1 = acc1_ref[...]
    x1 = dinv1 * (a1[0] + a1[1] + u1_ref[...]) + b1_ref[...]
    cs = cs_ref[...]
    dinv2 = lax.rsqrt(cs[0] + 1.0)[:, None]
    x2 = dinv2 * (acc2_ref[...] + u2_ref[...].astype(jnp.float32)) + b2_ref[...]
    o_ref[...] = jnp.concatenate([(1.0 - ALPHA) * x1, ALPHA * x2], axis=1)




def kernel(x, edge_index, W1, b1, W2, b2):
    n, d = x.shape
    e = edge_index.shape[1]
    src = edge_index[0]
    dst = edge_index[1]

    ept = -(-e // (NW * CH)) * CH
    nch = ept // CH
    epad = ept * NW
    pad = epad - e
    flat = src * NPAD + dst
    flat_p = jnp.concatenate(
        [flat, jnp.full((pad,), NPAD * NPAD - 1, jnp.int32)]).reshape(
            NSUB, 2 * nch, CH)
    dst_p1 = jnp.concatenate(
        [dst, jnp.full((pad,), NPAD, jnp.int32)]).reshape(NSUB, 2 * nch, CH)
    dst_p = jnp.concatenate(
        [dst, jnp.full((pad,), NPAD, jnp.int32)]).reshape(NW, nch, CH)
    src_p = jnp.concatenate(
        [src, jnp.zeros((pad,), jnp.int32)]).reshape(NW, nch, CH)

    x_pad = jnp.concatenate(
        [x, jnp.zeros((NPAD - n, d), jnp.float32)], axis=0)
    wc = jnp.concatenate([W1, W2], axis=1)
    ones_ch = jnp.ones((CH,), jnp.float32)
    zeros_deg = jnp.zeros((DEGSZ,), jnp.float32)
    zrows = jnp.zeros((CH, D), jnp.float32)

    a_ref = jax.new_ref(jnp.broadcast_to(x[0, 0] * 0.0, (A_SZ,)))
    degp_full = _make_k1(2 * nch)(a_ref, flat_p, dst_p1, ones_ch, zeros_deg)
    degp = degp_full[:, :NPAD]
    a2d = a_ref[...].reshape(NPAD, NPAD)

    ng = NPAD // _RB
    u1, xw2 = pl.pallas_call(
        _k3_body,
        grid=(ng,),
        in_specs=[
            pl.BlockSpec((_RB, D), lambda i: (i, 0)),
            pl.BlockSpec((D, 2 * D), lambda i: (0, 0)),
            pl.BlockSpec((NSUB, _RB), lambda i: (0, i)),
        ],
        out_specs=[
            pl.BlockSpec((_RB, D), lambda i: (i, 0)),
            pl.BlockSpec((_RB, D), lambda i: (i, 0)),
        ],
        out_shape=[
            jax.ShapeDtypeStruct((NPAD, D), jnp.float32),
            jax.ShapeDtypeStruct((NPAD, D), jnp.float32),
        ],
    )(x_pad, wc, degp)

    acc1 = _make_k2(nch)(u1, src_p, dst_p, zrows)

    a16 = pl.pallas_call(
        _k1c_body,
        grid=(NPAD // 1024, NPAD // 2048),
        in_specs=[pl.BlockSpec((1024, 2048), lambda i, j: (i, j))],
        out_specs=pl.BlockSpec((1024, 2048), lambda i, j: (i, j)),
        out_shape=jax.ShapeDtypeStruct((NPAD, NPAD), jnp.float8_e4m3fn),
    )(a2d)

    nj4, ni4 = NPAD // _TB4, NPAD // _TB4
    bmat, csum = pl.pallas_call(
        _k4_body,
        grid=(nj4, ni4),
        in_specs=[
            pl.BlockSpec((_TB4, NPAD), lambda j, i: (i, 0)),
            pl.BlockSpec((NPAD, _TB4), lambda j, i: (0, j)),
        ],
        out_specs=[
            pl.BlockSpec((_TB4, _TB4), lambda j, i: (i, j)),
            pl.BlockSpec((8, _TB4), lambda j, i: (0, j)),
        ],
        out_shape=[
            jax.ShapeDtypeStruct((NPAD, NPAD), jnp.float8_e4m3fn),
            jax.ShapeDtypeStruct((8, NPAD), jnp.float32),
        ],
        compiler_params=pltpu.CompilerParams(
            vmem_limit_bytes=64 * 1024 * 1024),
    )(a16, a16)

    u2 = pl.pallas_call(
        _k5a_body,
        grid=(ng,),
        in_specs=[
            pl.BlockSpec((8, _RB), lambda i: (0, i)),
            pl.BlockSpec((_RB, D), lambda i: (i, 0)),
        ],
        out_specs=pl.BlockSpec((_RB, D), lambda i: (i, 0)),
        out_shape=jax.ShapeDtypeStruct((NPAD, D), jnp.bfloat16),
    )(csum, xw2)

    tb = 1024
    nj5, ni5 = NPAD // tb, NPAD // tb
    acc2 = pl.pallas_call(
        _k5_body,
        grid=(nj5, ni5),
        in_specs=[
            pl.BlockSpec((tb, tb), lambda j, i: (i, j)),
            pl.BlockSpec((tb, D), lambda j, i: (i, 0)),
        ],
        out_specs=pl.BlockSpec((tb, D), lambda j, i: (j, 0)),
        out_shape=jax.ShapeDtypeStruct((NPAD, D), jnp.float32),
        compiler_params=pltpu.CompilerParams(
            vmem_limit_bytes=64 * 1024 * 1024),
    )(bmat, u2)

    out_full = pl.pallas_call(
        _k6_body,
        grid=(ng,),
        in_specs=[
            pl.BlockSpec((NSUB, _RB), lambda i: (0, i)),
            pl.BlockSpec((2, _RB, D), lambda i: (0, i, 0)),
            pl.BlockSpec((_RB, D), lambda i: (i, 0)),
            pl.BlockSpec((8, _RB), lambda i: (0, i)),
            pl.BlockSpec((_RB, D), lambda i: (i, 0)),
            pl.BlockSpec((_RB, D), lambda i: (i, 0)),
            pl.BlockSpec((1, D), lambda i: (0, 0)),
            pl.BlockSpec((1, D), lambda i: (0, 0)),
        ],
        out_specs=pl.BlockSpec((_RB, 2 * D), lambda i: (i, 0)),
        out_shape=jax.ShapeDtypeStruct((NPAD, 2 * D), jnp.float32),
    )(degp, acc1, u1, csum, acc2, u2,
      b1.reshape(1, D), b2.reshape(1, D))

    return out_full[:n]

# --- scband reference (transcript-rebuilt; emitter-appended) ---
"""Pipeline reference for scband-parallel-gnnblock-14353780703440 (READ-ONLY COPY).

The authoritative reference and input builder live on the scoring server;
editing this copy changes nothing except your own understanding.
"""

import jax, jax.numpy as jnp
import numpy as np

ALPHA = 0.01


def gcn_conv(x, edge_index, W, b):
    # Faithful PyG GCNConv: add self loops, symmetric normalization, linear, scatter-add aggregate, bias
    N = x.shape[0]
    loop = jnp.arange(N, dtype=edge_index.dtype)
    src = jnp.concatenate([edge_index[0], loop])
    dst = jnp.concatenate([edge_index[1], loop])
    ew = jnp.ones(src.shape[0], dtype=x.dtype)
    deg = jnp.zeros(N, dtype=x.dtype).at[dst].add(ew)
    dinv = jnp.where(deg > 0, deg ** -0.5, 0.0)
    norm = dinv[src] * ew * dinv[dst]
    xw = x @ W
    msg = xw[src] * norm[:, None]
    out = jnp.zeros((N, W.shape[1]), dtype=x.dtype).at[dst].add(msg)
    return out + b


def gcn_conv_dense(x, M, W, b):
    # GCNConv over a dense adjacency-with-self-loops M (unit edge weights):
    # deg[d] = sum_s M[s, d]; out = (D^-1/2 M D^-1/2)^T @ (x W) + b
    deg = M.sum(axis=0)
    dinv = jnp.where(deg > 0, deg ** -0.5, 0.0)
    xw = x @ W
    Mhat = M * dinv[:, None] * dinv[None, :]
    out = Mhat.T @ xw
    return out + b


def high_adj(edge_index, num, n):
    # Build sparse A of static size n (all indices lie in [0, n)), A^num via mm,
    # then the 0/1 mask of its nonzero pattern
    A = jnp.zeros((n, n), dtype=jnp.float32).at[edge_index[0], edge_index[1]].add(1.0)
    Ak = A
    for _ in range(num - 1):
        Ak = A @ Ak
    return (Ak > 0).astype(jnp.float32)


def setup_inputs(seed: int = 0) -> dict:
    key = jax.random.key(seed)
    k1, k2, k3, k4, k5, k6 = jax.random.split(key, 6)
    N, E, D_IN, D_OUT = 10000, 160000, 128, 128
    x = jax.random.normal(k1, (N, D_IN), dtype=jnp.float32)
    edge_index = jax.random.randint(k2, (2, E), 0, N, dtype=jnp.int32)
    s = float(np.sqrt(6.0 / (D_IN + D_OUT)))
    W1 = jax.random.uniform(k3, (D_IN, D_OUT), minval=-s, maxval=s, dtype=jnp.float32)
    b1 = jnp.zeros((D_OUT,), dtype=jnp.float32)
    W2 = jax.random.uniform(k4, (D_IN, D_OUT), minval=-s, maxval=s, dtype=jnp.float32)
    b2 = jnp.zeros((D_OUT,), dtype=jnp.float32)
    return {"x": x, "edge_index": edge_index, "W1": W1, "b1": b1, "W2": W2, "b2": b2}


def reference(x, edge_index, W1, b1, W2, b2):
    x1 = gcn_conv(x, edge_index, W1, b1)
    N = x.shape[0]
    B = high_adj(edge_index, 2, N)
    M = B + jnp.eye(N, dtype=B.dtype)
    x2 = gcn_conv_dense(x, M, W2, b2)
    return jnp.concatenate([(1.0 - ALPHA) * x1, ALPHA * x2], axis=1)

if __name__ == "__main__":
    import jax
    _d = setup_inputs()
    print(jax.jit(kernel)(*tuple(_d.values())))

</pallas_src>

<mosaic_0001>
#map = affine_map<(d0, d1) -> (0)>
#map1 = affine_map<(d0, d1) -> (0, 0, 0)>
#map2 = affine_map<(d0, d1) -> (0, 0)>
module attributes {stable_mosaic.version = 14 : i64} {
  func.func @new_body(%arg0: i32, %arg1: i32, %arg2: memref<104857600xf32, #tpu.memory_space<hbm>>, %arg3: memref<16x80x128xi32, #tpu.memory_space<hbm>>, %arg4: memref<16x80x128xi32, #tpu.memory_space<hbm>>, %arg5: memref<128xf32, #tpu.memory_space<hbm>>, %arg6: memref<10496xf32, #tpu.memory_space<hbm>>, %arg7: memref<16x10496xf32, #tpu.memory_space<hbm>>, %arg8: memref<104857600xf32, #tpu.memory_space<hbm>>, %arg9: memref<80x128xi32, #tpu.memory_space<vmem>>, %arg10: memref<80x128xi32, #tpu.memory_space<vmem>>, %arg11: memref<128xf32, #tpu.memory_space<vmem>>, %arg12: memref<10496xf32, #tpu.memory_space<vmem>>, %arg13: memref<!tpu.dma_semaphore, #tpu.memory_space<semaphore_mem>>) attributes {dimension_semantics = [#tpu.dimension_semantics<core_parallel>, #tpu.dimension_semantics<subcore_parallel>], iteration_bounds = array<i64: 1, 16>, scalar_prefetch = 0 : i64, scratch_operands = 5 : i64, tpu.core_type = #tpu.core_type<sc_vector_subcore>, window_params = [{transform_indices = #map}, {transform_indices = #map1}, {transform_indices = #map1}, {transform_indices = #map}, {transform_indices = #map}, {transform_indices = #map2}, {transform_indices = #map}]} {
    "tpu.region"() ({
      %run_scoped3A = tpu.sem_alloc : memref<!tpu.dma_semaphore, #tpu.memory_space<semaphore_mem>>
      %dma_start3A = arith.constant 0 : i32
      %dma_start3A_12 = arith.constant 0 : i32
      %dma_start3A_13 = tpu.memref_slice %arg3[%arg1, %dma_start3A, %dma_start3A_12] : memref<16x80x128xi32, #tpu.memory_space<hbm>> -> memref<1x80x128xi32, #tpu.memory_space<hbm>>
      %dma_start3A_14 = tpu.memref_squeeze %dma_start3A_13 : memref<1x80x128xi32, #tpu.memory_space<hbm>> -> memref<80x128xi32, #tpu.memory_space<hbm>>
      %dma_start3A_15 = arith.constant 0 : i32
      %dma_start3A_16 = arith.constant 0 : i32
      %dma_start3A_17 = tpu.memref_slice %arg3[%arg1, %dma_start3A_15, %dma_start3A_16] : memref<16x80x128xi32, #tpu.memory_space<hbm>> -> memref<1x80x128xi32, #tpu.memory_space<hbm>>
      %dma_start3A_18 = tpu.memref_squeeze %dma_start3A_17 : memref<1x80x128xi32, #tpu.memory_space<hbm>> -> memref<80x128xi32, #tpu.memory_space<hbm>>
      tpu.enqueue_dma source(%dma_start3A_18 : memref<80x128xi32, #tpu.memory_space<hbm>>) target(%arg9 : memref<80x128xi32, #tpu.memory_space<vmem>>) target_semaphore(%run_scoped3A : memref<!tpu.dma_semaphore, #tpu.memory_space<semaphore_mem>>)
      %dma_wait3A = arith.constant 0 : i32
      %dma_wait3A_19 = arith.constant 0 : i32
      %dma_wait3A_20 = tpu.memref_slice %arg3[%arg1, %dma_wait3A, %dma_wait3A_19] : memref<16x80x128xi32, #tpu.memory_space<hbm>> -> memref<1x80x128xi32, #tpu.memory_space<hbm>>
      %dma_wait3A_21 = tpu.memref_squeeze %dma_wait3A_20 : memref<1x80x128xi32, #tpu.memory_space<hbm>> -> memref<80x128xi32, #tpu.memory_space<hbm>>
      %dma_wait3A_22 = arith.constant 0 : i32
      %dma_wait3A_23 = arith.constant 0 : i32
      %dma_wait3A_24 = tpu.memref_slice %arg3[%arg1, %dma_wait3A_22, %dma_wait3A_23] : memref<16x80x128xi32, #tpu.memory_space<hbm>> -> memref<1x80x128xi32, #tpu.memory_space<hbm>>
      %dma_wait3A_25 = tpu.memref_squeeze %dma_wait3A_24 : memref<1x80x128xi32, #tpu.memory_space<hbm>> -> memref<80x128xi32, #tpu.memory_space<hbm>>
      tpu.wait_dma2 semaphore(%run_scoped3A : memref<!tpu.dma_semaphore, #tpu.memory_space<semaphore_mem>>) src(%dma_wait3A_25 : memref<80x128xi32, #tpu.memory_space<hbm>>) dst(%arg9 : memref<80x128xi32, #tpu.memory_space<vmem>>)
      tpu.yield
    }) : () -> ()
    "tpu.region"() ({
      %run_scoped3A = tpu.sem_alloc : memref<!tpu.dma_semaphore, #tpu.memory_space<semaphore_mem>>
      %dma_start3A = arith.constant 0 : i32
      %dma_start3A_12 = arith.constant 0 : i32
      %dma_start3A_13 = tpu.memref_slice %arg4[%arg1, %dma_start3A, %dma_start3A_12] : memref<16x80x128xi32, #tpu.memory_space<hbm>> -> memref<1x80x128xi32, #tpu.memory_space<hbm>>
      %dma_start3A_14 = tpu.memref_squeeze %dma_start3A_13 : memref<1x80x128xi32, #tpu.memory_space<hbm>> -> memref<80x128xi32, #tpu.memory_space<hbm>>
      %dma_start3A_15 = arith.constant 0 : i32
      %dma_start3A_16 = arith.constant 0 : i32
      %dma_start3A_17 = tpu.memref_slice %arg4[%arg1, %dma_start3A_15, %dma_start3A_16] : memref<16x80x128xi32, #tpu.memory_space<hbm>> -> memref<1x80x128xi32, #tpu.memory_space<hbm>>
      %dma_start3A_18 = tpu.memref_squeeze %dma_start3A_17 : memref<1x80x128xi32, #tpu.memory_space<hbm>> -> memref<80x128xi32, #tpu.memory_space<hbm>>
      tpu.enqueue_dma source(%dma_start3A_18 : memref<80x128xi32, #tpu.memory_space<hbm>>) target(%arg10 : memref<80x128xi32, #tpu.memory_space<vmem>>) target_semaphore(%run_scoped3A : memref<!tpu.dma_semaphore, #tpu.memory_space<semaphore_mem>>)
      %dma_wait3A = arith.constant 0 : i32
      %dma_wait3A_19 = arith.constant 0 : i32
      %dma_wait3A_20 = tpu.memref_slice %arg4[%arg1, %dma_wait3A, %dma_wait3A_19] : memref<16x80x128xi32, #tpu.memory_space<hbm>> -> memref<1x80x128xi32, #tpu.memory_space<hbm>>
      %dma_wait3A_21 = tpu.memref_squeeze %dma_wait3A_20 : memref<1x80x128xi32, #tpu.memory_space<hbm>> -> memref<80x128xi32, #tpu.memory_space<hbm>>
      %dma_wait3A_22 = arith.constant 0 : i32
      %dma_wait3A_23 = arith.constant 0 : i32
      %dma_wait3A_24 = tpu.memref_slice %arg4[%arg1, %dma_wait3A_22, %dma_wait3A_23] : memref<16x80x128xi32, #tpu.memory_space<hbm>> -> memref<1x80x128xi32, #tpu.memory_space<hbm>>
      %dma_wait3A_25 = tpu.memref_squeeze %dma_wait3A_24 : memref<1x80x128xi32, #tpu.memory_space<hbm>> -> memref<80x128xi32, #tpu.memory_space<hbm>>
      tpu.wait_dma2 semaphore(%run_scoped3A : memref<!tpu.dma_semaphore, #tpu.memory_space<semaphore_mem>>) src(%dma_wait3A_25 : memref<80x128xi32, #tpu.memory_space<hbm>>) dst(%arg10 : memref<80x128xi32, #tpu.memory_space<vmem>>)
      tpu.yield
    }) : () -> ()
    "tpu.region"() ({
      %run_scoped3A = tpu.sem_alloc : memref<!tpu.dma_semaphore, #tpu.memory_space<semaphore_mem>>
      tpu.enqueue_dma source(%arg5 : memref<128xf32, #tpu.memory_space<hbm>>) target(%arg11 : memref<128xf32, #tpu.memory_space<vmem>>) target_semaphore(%run_scoped3A : memref<!tpu.dma_semaphore, #tpu.memory_space<semaphore_mem>>)
      tpu.wait_dma2 semaphore(%run_scoped3A : memref<!tpu.dma_semaphore, #tpu.memory_space<semaphore_mem>>) src(%arg5 : memref<128xf32, #tpu.memory_space<hbm>>) dst(%arg11 : memref<128xf32, #tpu.memory_space<vmem>>)
      tpu.yield
    }) : () -> ()
    "tpu.region"() ({
      %run_scoped3A = tpu.sem_alloc : memref<!tpu.dma_semaphore, #tpu.memory_space<semaphore_mem>>
      tpu.enqueue_dma source(%arg6 : memref<10496xf32, #tpu.memory_space<hbm>>) target(%arg12 : memref<10496xf32, #tpu.memory_space<vmem>>) target_semaphore(%run_scoped3A : memref<!tpu.dma_semaphore, #tpu.memory_space<semaphore_mem>>)
      tpu.wait_dma2 semaphore(%run_scoped3A : memref<!tpu.dma_semaphore, #tpu.memory_space<semaphore_mem>>) src(%arg6 : memref<10496xf32, #tpu.memory_space<hbm>>) dst(%arg12 : memref<10496xf32, #tpu.memory_space<vmem>>)
      tpu.yield
    }) : () -> ()
    %broadcast_in_dim3A = arith.constant 1.000000e+00 : f32
    %broadcast_in_dim3A_0 = vector.broadcast %broadcast_in_dim3A : f32 to vector<16xf32>
    %scan3A = arith.constant 0 : i32
    %scan3A_1 = arith.constant 0 : i32
    %scan3A_2 = arith.constant 80 : i32
    %scan3A_3 = arith.addi %scan3A_1, %scan3A_2 : i32
    %scan3A_4 = arith.constant 1 : i32
    scf.for %scan3A_12 = %scan3A_1 to %scan3A_3 step %scan3A_4  : i32 {
      %dma_start3A = arith.constant 0 : i32
      %dma_start3A_13 = tpu.memref_slice %arg9[%scan3A_12, %dma_start3A] : memref<80x128xi32, #tpu.memory_space<vmem>> -> memref<1x128xi32, #tpu.memory_space<vmem>>
      %dma_start3A_14 = tpu.memref_squeeze %dma_start3A_13 : memref<1x128xi32, #tpu.memory_space<vmem>> -> memref<128xi32, #tpu.memory_space<vmem>>
      %dma_start3A_15 = arith.constant 0 : i32
      %dma_start3A_16 = tpu.memref_slice %arg2[%dma_start3A_15] : memref<104857600xf32, #tpu.memory_space<hbm>> -> memref<104857600xf32, #tpu.memory_space<hbm>>
      tpu.enqueue_indirect_dma source(%arg11 : memref<128xf32, #tpu.memory_space<vmem>>) target(%dma_start3A_16 : memref<104857600xf32, #tpu.memory_space<hbm>>) offsets(%dma_start3A_14 : memref<128xi32, #tpu.memory_space<vmem>>) semaphore(%arg13 : memref<!tpu.dma_semaphore, #tpu.memory_space<semaphore_mem>>)
      %scan3A_17 = arith.constant 0 : i32
      %scan3A_18 = arith.constant 0 : i32
      %scan3A_19 = arith.constant 8 : i32
      %scan3A_20 = arith.addi %scan3A_18, %scan3A_19 : i32
      %scan3A_21 = arith.constant 1 : i32
      scf.for %scan3A_23 = %scan3A_18 to %scan3A_20 step %scan3A_21  : i32 {
        %mul3A = arith.constant 16 : i32
        %mul3A_24 = arith.muli %scan3A_23, %mul3A : i32
        %get3A = arith.index_cast %scan3A_12 : i32 to index
        %get3A_25 = arith.index_cast %mul3A_24 : i32 to index
        %get3A_26 = tpu.vector_load %arg10[%get3A, %get3A_25] {strides = array<i32>} : memref<80x128xi32, #tpu.memory_space<vmem>>, vector<16xi32>,
        tpu.vector_store_idx %arg12[%get3A_26], %broadcast_in_dim3A_0 {add = true} : memref<10496xf32, #tpu.memory_space<vmem>>[vector<16xi32>], vector<16xf32>,
      }
      %scan3A_22 = arith.constant 8 : i32
    }
    %scan3A_5 = arith.constant 80 : i32
    %scan3A_6 = arith.constant 0 : i32
    %scan3A_7 = arith.constant 0 : i32
    %scan3A_8 = arith.constant 80 : i32
    %scan3A_9 = arith.addi %scan3A_7, %scan3A_8 : i32
    %scan3A_10 = arith.constant 1 : i32
    scf.for %scan3A_12 = %scan3A_7 to %scan3A_9 step %scan3A_10  : i32 {
      %dma_wait3A = arith.constant 0 : i32
      %dma_wait3A_13 = tpu.memref_slice %arg9[%scan3A_12, %dma_wait3A] : memref<80x128xi32, #tpu.memory_space<vmem>> -> memref<1x128xi32, #tpu.memory_space<vmem>>
      %dma_wait3A_14 = tpu.memref_squeeze %dma_wait3A_13 : memref<1x128xi32, #tpu.memory_space<vmem>> -> memref<128xi32, #tpu.memory_space<vmem>>
      %dma_wait3A_15 = arith.constant 0 : i32
      %dma_wait3A_16 = tpu.memref_slice %arg2[%dma_wait3A_15] : memref<104857600xf32, #tpu.memory_space<hbm>> -> memref<104857600xf32, #tpu.memory_space<hbm>>
      tpu.wait_indirect_dma semaphore(%arg13 : memref<!tpu.dma_semaphore, #tpu.memory_space<semaphore_mem>>) src(%arg11 : memref<128xf32, #tpu.memory_space<vmem>>) dst(%dma_wait3A_16 : memref<104857600xf32, #tpu.memory_space<hbm>>)
    }
    %scan3A_11 = arith.constant 80 : i32
    "tpu.region"() ({
      %run_scoped3A = tpu.sem_alloc : memref<!tpu.dma_semaphore, #tpu.memory_space<semaphore_mem>>
      %dma_start3A = arith.constant 0 : i32
      %dma_start3A_12 = tpu.memref_slice %arg7[%arg1, %dma_start3A] : memref<16x10496xf32, #tpu.memory_space<hbm>> -> memref<1x10496xf32, #tpu.memory_space<hbm>>
      %dma_start3A_13 = tpu.memref_squeeze %dma_start3A_12 : memref<1x10496xf32, #tpu.memory_space<hbm>> -> memref<10496xf32, #tpu.memory_space<hbm>>
      %dma_start3A_14 = arith.constant 0 : i32
      %dma_start3A_15 = tpu.memref_slice %arg7[%arg1, %dma_start3A_14] : memref<16x10496xf32, #tpu.memory_space<hbm>> -> memref<1x10496xf32, #tpu.memory_space<hbm>>
      %dma_start3A_16 = tpu.memref_squeeze %dma_start3A_15 : memref<1x10496xf32, #tpu.memory_space<hbm>> -> memref<10496xf32, #tpu.memory_space<hbm>>
      tpu.enqueue_dma source(%arg12 : memref<10496xf32, #tpu.memory_space<vmem>>) target(%dma_start3A_16 : memref<10496xf32, #tpu.memory_space<hbm>>) target_semaphore(%run_scoped3A : memref<!tpu.dma_semaphore, #tpu.memory_space<semaphore_mem>>)
      %dma_wait3A = arith.constant 0 : i32
      %dma_wait3A_17 = tpu.memref_slice %arg7[%arg1, %dma_wait3A] : memref<16x10496xf32, #tpu.memory_space<hbm>> -> memref<1x10496xf32, #tpu.memory_space<hbm>>
      %dma_wait3A_18 = tpu.memref_squeeze %dma_wait3A_17 : memref<1x10496xf32, #tpu.memory_space<hbm>> -> memref<10496xf32, #tpu.memory_space<hbm>>
      %dma_wait3A_19 = arith.constant 0 : i32
      %dma_wait3A_20 = tpu.memref_slice %arg7[%arg1, %dma_wait3A_19] : memref<16x10496xf32, #tpu.memory_space<hbm>> -> memref<1x10496xf32, #tpu.memory_space<hbm>>
      %dma_wait3A_21 = tpu.memref_squeeze %dma_wait3A_20 : memref<1x10496xf32, #tpu.memory_space<hbm>> -> memref<10496xf32, #tpu.memory_space<hbm>>
      tpu.wait_dma2 semaphore(%run_scoped3A : memref<!tpu.dma_semaphore, #tpu.memory_space<semaphore_mem>>) src(%arg12 : memref<10496xf32, #tpu.memory_space<vmem>>) dst(%dma_wait3A_21 : memref<10496xf32, #tpu.memory_space<hbm>>)
      tpu.yield
    }) : () -> ()
    return
  }
}

#map = affine_map<(d0, d1) -> (0, 0)>
#map1 = affine_map<(d0, d1) -> (0, 0, 0)>
module attributes {stable_mosaic.version = 14 : i64} {
  func.func @k2(%arg0: i32, %arg1: i32, %arg2: memref<10240x128xf32, #tpu.memory_space<hbm>>, %arg3: memref<32x40x128xi32, #tpu.memory_space<hbm>>, %arg4: memref<32x40x128xi32, #tpu.memory_space<hbm>>, %arg5: memref<128x128xf32, #tpu.memory_space<hbm>>, %arg6: memref<2x10240x128xf32, #tpu.memory_space<hbm>>, %arg7: memref<40x128xi32, #tpu.memory_space<vmem>>, %arg8: memref<40x128xi32, #tpu.memory_space<vmem>>, %arg9: memref<2x128x128xf32, #tpu.memory_space<vmem>>, %arg10: memref<10496x128xf32, #tpu.memory_space<vmem_shared>>, %arg11: memref<!tpu.dma_semaphore, #tpu.memory_space<semaphore_mem>>, %arg12: memref<!tpu.dma_semaphore, #tpu.memory_space<semaphore_mem>>) attributes {dimension_semantics = [#tpu.dimension_semantics<core_parallel>, #tpu.dimension_semantics<subcore_parallel>], iteration_bounds = array<i64: 2, 16>, scalar_prefetch = 0 : i64, scratch_operands = 6 : i64, tpu.core_type = #tpu.core_type<sc_vector_subcore>, window_params = [{transform_indices = #map}, {transform_indices = #map1}, {transform_indices = #map1}, {transform_indices = #map}, {transform_indices = #map1}]} {
    %mul3A = arith.constant 2 : i32
    %mul3A_0 = arith.muli %arg1, %mul3A : i32
    %add3A = arith.addi %mul3A_0, %arg0 : i32
    "tpu.region"() ({
      %run_scoped3A_37 = tpu.sem_alloc : memref<!tpu.dma_semaphore, #tpu.memory_space<semaphore_mem>>
      %dma_start3A_38 = arith.constant 0 : i32
      %dma_start3A_39 = arith.constant 0 : i32
      %dma_start3A_40 = tpu.memref_slice %arg3[%add3A, %dma_start3A_38, %dma_start3A_39] : memref<32x40x128xi32, #tpu.memory_space<hbm>> -> memref<1x40x128xi32, #tpu.memory_space<hbm>>
      %dma_start3A_41 = tpu.memref_squeeze %dma_start3A_40 : memref<1x40x128xi32, #tpu.memory_space<hbm>> -> memref<40x128xi32, #tpu.memory_space<hbm>>
      %dma_start3A_42 = arith.constant 0 : i32
      %dma_start3A_43 = arith.constant 0 : i32
      %dma_start3A_44 = tpu.memref_slice %arg3[%add3A, %dma_start3A_42, %dma_start3A_43] : memref<32x40x128xi32, #tpu.memory_space<hbm>> -> memref<1x40x128xi32, #tpu.memory_space<hbm>>
      %dma_start3A_45 = tpu.memref_squeeze %dma_start3A_44 : memref<1x40x128xi32, #tpu.memory_space<hbm>> -> memref<40x128xi32, #tpu.memory_space<hbm>>
      tpu.enqueue_dma source(%dma_start3A_45 : memref<40x128xi32, #tpu.memory_space<hbm>>) target(%arg7 : memref<40x128xi32, #tpu.memory_space<vmem>>) target_semaphore(%run_scoped3A_37 : memref<!tpu.dma_semaphore, #tpu.memory_space<semaphore_mem>>)
      %dma_wait3A = arith.constant 0 : i32
      %dma_wait3A_46 = arith.constant 0 : i32
      %dma_wait3A_47 = tpu.memref_slice %arg3[%add3A, %dma_wait3A, %dma_wait3A_46] : memref<32x40x128xi32, #tpu.memory_space<hbm>> -> memref<1x40x128xi32, #tpu.memory_space<hbm>>
      %dma_wait3A_48 = tpu.memref_squeeze %dma_wait3A_47 : memref<1x40x128xi32, #tpu.memory_space<hbm>> -> memref<40x128xi32, #tpu.memory_space<hbm>>
      %dma_wait3A_49 = arith.constant 0 : i32
      %dma_wait3A_50 = arith.constant 0 : i32
      %dma_wait3A_51 = tpu.memref_slice %arg3[%add3A, %dma_wait3A_49, %dma_wait3A_50] : memref<32x40x128xi32, #tpu.memory_space<hbm>> -> memref<1x40x128xi32, #tpu.memory_space<hbm>>
      %dma_wait3A_52 = tpu.memref_squeeze %dma_wait3A_51 : memref<1x40x128xi32, #tpu.memory_space<hbm>> -> memref<40x128xi32, #tpu.memory_space<hbm>>
      tpu.wait_dma2 semaphore(%run_scoped3A_37 : memref<!tpu.dma_semaphore, #tpu.memory_space<semaphore_mem>>) src(%dma_wait3A_52 : memref<40x128xi32, #tpu.memory_space<hbm>>) dst(%arg7 : memref<40x128xi32, #tpu.memory_space<vmem>>)
      tpu.yield
    }) : () -> ()
    "tpu.region"() ({
      %run_scoped3A_37 = tpu.sem_alloc : memref<!tpu.dma_semaphore, #tpu.memory_space<semaphore_mem>>
      %dma_start3A_38 = arith.constant 0 : i32
      %dma_start3A_39 = arith.constant 0 : i32
      %dma_start3A_40 = tpu.memref_slice %arg4[%add3A, %dma_start3A_38, %dma_start3A_39] : memref<32x40x128xi32, #tpu.memory_space<hbm>> -> memref<1x40x128xi32, #tpu.memory_space<hbm>>
      %dma_start3A_41 = tpu.memref_squeeze %dma_start3A_40 : memref<1x40x128xi32, #tpu.memory_space<hbm>> -> memref<40x128xi32, #tpu.memory_space<hbm>>
      %dma_start3A_42 = arith.constant 0 : i32
      %dma_start3A_43 = arith.constant 0 : i32
      %dma_start3A_44 = tpu.memref_slice %arg4[%add3A, %dma_start3A_42, %dma_start3A_43] : memref<32x40x128xi32, #tpu.memory_space<hbm>> -> memref<1x40x128xi32, #tpu.memory_space<hbm>>
      %dma_start3A_45 = tpu.memref_squeeze %dma_start3A_44 : memref<1x40x128xi32, #tpu.memory_space<hbm>> -> memref<40x128xi32, #tpu.memory_space<hbm>>
      tpu.enqueue_dma source(%dma_start3A_45 : memref<40x128xi32, #tpu.memory_space<hbm>>) target(%arg8 : memref<40x128xi32, #tpu.memory_space<vmem>>) target_semaphore(%run_scoped3A_37 : memref<!tpu.dma_semaphore, #tpu.memory_space<semaphore_mem>>)
      %dma_wait3A = arith.constant 0 : i32
      %dma_wait3A_46 = arith.constant 0 : i32
      %dma_wait3A_47 = tpu.memref_slice %arg4[%add3A, %dma_wait3A, %dma_wait3A_46] : memref<32x40x128xi32, #tpu.memory_space<hbm>> -> memref<1x40x128xi32, #tpu.memory_space<hbm>>
      %dma_wait3A_48 = tpu.memref_squeeze %dma_wait3A_47 : memref<1x40x128xi32, #tpu.memory_space<hbm>> -> memref<40x128xi32, #tpu.memory_space<hbm>>
      %dma_wait3A_49 = arith.constant 0 : i32
      %dma_wait3A_50 = arith.constant 0 : i32
      %dma_wait3A_51 = tpu.memref_slice %arg4[%add3A, %dma_wait3A_49, %dma_wait3A_50] : memref<32x40x128xi32, #tpu.memory_space<hbm>> -> memref<1x40x128xi32, #tpu.memory_space<hbm>>
      %dma_wait3A_52 = tpu.memref_squeeze %dma_wait3A_51 : memref<1x40x128xi32, #tpu.memory_space<hbm>> -> memref<40x128xi32, #tpu.memory_space<hbm>>
      tpu.wait_dma2 semaphore(%run_scoped3A_37 : memref<!tpu.dma_semaphore, #tpu.memory_space<semaphore_mem>>) src(%dma_wait3A_52 : memref<40x128xi32, #tpu.memory_space<hbm>>) dst(%arg8 : memref<40x128xi32, #tpu.memory_space<vmem>>)
      tpu.yield
    }) : () -> ()
    %run_scoped3A = arith.constant 0 : i32
    "tpu.region"() ({
      %run_scoped3A_37 = tpu.sem_alloc : memref<!tpu.dma_semaphore, #tpu.memory_space<semaphore_mem>>
      %dma_start3A_38 = arith.constant 0 : i32
      %dma_start3A_39 = arith.constant 0 : i32
      %dma_start3A_40 = tpu.memref_slice %arg9[%run_scoped3A, %dma_start3A_38, %dma_start3A_39] : memref<2x128x128xf32, #tpu.memory_space<vmem>> -> memref<1x128x128xf32, #tpu.memory_space<vmem>>
      %dma_start3A_41 = tpu.memref_squeeze %dma_start3A_40 : memref<1x128x128xf32, #tpu.memory_space<vmem>> -> memref<128x128xf32, #tpu.memory_space<vmem>>
      %dma_start3A_42 = arith.constant 0 : i32
      %dma_start3A_43 = arith.constant 0 : i32
      %dma_start3A_44 = tpu.memref_slice %arg9[%run_scoped3A, %dma_start3A_42, %dma_start3A_43] : memref<2x128x128xf32, #tpu.memory_space<vmem>> -> memref<1x128x128xf32, #tpu.memory_space<vmem>>
      %dma_start3A_45 = tpu.memref_squeeze %dma_start3A_44 : memref<1x128x128xf32, #tpu.memory_space<vmem>> -> memref<128x128xf32, #tpu.memory_space<vmem>>
      tpu.enqueue_dma source(%arg5 : memref<128x128xf32, #tpu.memory_space<hbm>>) target(%dma_start3A_45 : memref<128x128xf32, #tpu.memory_space<vmem>>) target_semaphore(%run_scoped3A_37 : memref<!tpu.dma_semaphore, #tpu.memory_space<semaphore_mem>>)
      %dma_wait3A = arith.constant 0 : i32
      %dma_wait3A_46 = arith.constant 0 : i32
      %dma_wait3A_47 = tpu.memref_slice %arg9[%run_scoped3A, %dma_wait3A, %dma_wait3A_46] : memref<2x128x128xf32, #tpu.memory_space<vmem>> -> memref<1x128x128xf32, #tpu.memory_space<vmem>>
      %dma_wait3A_48 = tpu.memref_squeeze %dma_wait3A_47 : memref<1x128x128xf32, #tpu.memory_space<vmem>> -> memref<128x128xf32, #tpu.memory_space<vmem>>
      %dma_wait3A_49 = arith.constant 0 : i32
      %dma_wait3A_50 = arith.constant 0 : i32
      %dma_wait3A_51 = tpu.memref_slice %arg9[%run_scoped3A, %dma_wait3A_49, %dma_wait3A_50] : memref<2x128x128xf32, #tpu.memory_space<vmem>> -> memref<1x128x128xf32, #tpu.memory_space<vmem>>
      %dma_wait3A_52 = tpu.memref_squeeze %dma_wait3A_51 : memref<1x128x128xf32, #tpu.memory_space<vmem>> -> memref<128x128xf32, #tpu.memory_space<vmem>>
      tpu.wait_dma2 semaphore(%run_scoped3A_37 : memref<!tpu.dma_semaphore, #tpu.memory_space<semaphore_mem>>) src(%arg5 : memref<128x128xf32, #tpu.memory_space<hbm>>) dst(%dma_wait3A_52 : memref<128x128xf32, #tpu.memory_space<vmem>>)
      tpu.yield
    }) : () -> ()
    %mul3A_1 = arith.constant 656 : i32
    %mul3A_2 = arith.muli %arg1, %mul3A_1 : i32
    %scan3A = arith.constant 0 : i32
    %scan3A_3 = arith.constant 0 : i32
    %scan3A_4 = arith.constant 5 : i32
    %scan3A_5 = arith.addi %scan3A_3, %scan3A_4 : i32
    %scan3A_6 = arith.constant 1 : i32
    scf.for %scan3A_37 = %scan3A_3 to %scan3A_5 step %scan3A_6  : i32 {
      %mul3A_38 = arith.constant 128 : i32
      %mul3A_39 = arith.muli %scan3A_37, %mul3A_38 : i32
      %add3A_40 = arith.addi %mul3A_2, %mul3A_39 : i32
      %run_scoped3A_41 = arith.constant 0 : i32
      "tpu.region"() ({
        %run_scoped3A_42 = tpu.sem_alloc : memref<!tpu.dma_semaphore, #tpu.memory_space<semaphore_mem>>
        %dma_start3A_43 = arith.constant 0 : i32
        %dma_start3A_44 = arith.constant 0 : i32
        %dma_start3A_45 = tpu.memref_slice %arg9[%run_scoped3A_41, %dma_start3A_43, %dma_start3A_44] : memref<2x128x128xf32, #tpu.memory_space<vmem>> -> memref<1x128x128xf32, #tpu.memory_space<vmem>>
        %dma_start3A_46 = tpu.memref_squeeze %dma_start3A_45 : memref<1x128x128xf32, #tpu.memory_space<vmem>> -> memref<128x128xf32, #tpu.memory_space<vmem>>
        %dma_start3A_47 = arith.constant 0 : i32
        %dma_start3A_48 = tpu.memref_slice %arg10[%add3A_40, %dma_start3A_47] : memref<10496x128xf32, #tpu.memory_space<vmem_shared>> -> memref<128x128xf32, #tpu.memory_space<vmem_shared>>
        %dma_start3A_49 = arith.constant 0 : i32
        %dma_start3A_50 = tpu.memref_slice %arg10[%add3A_40, %dma_start3A_49] : memref<10496x128xf32, #tpu.memory_space<vmem_shared>> -> memref<128x128xf32, #tpu.memory_space<vmem_shared>>
        %dma_start3A_51 = arith.constant 0 : i32
        %dma_start3A_52 = arith.constant 0 : i32
        %dma_start3A_53 = tpu.memref_slice %arg9[%run_scoped3A_41, %dma_start3A_51, %dma_start3A_52] : memref<2x128x128xf32, #tpu.memory_space<vmem>> -> memref<1x128x128xf32, #tpu.memory_space<vmem>>
        %dma_start3A_54 = tpu.memref_squeeze %dma_start3A_53 : memref<1x128x128xf32, #tpu.memory_space<vmem>> -> memref<128x128xf32, #tpu.memory_space<vmem>>
        tpu.enqueue_dma source(%dma_start3A_54 : memref<128x128xf32, #tpu.memory_space<vmem>>) target(%dma_start3A_50 : memref<128x128xf32, #tpu.memory_space<vmem_shared>>) target_semaphore(%run_scoped3A_42 : memref<!tpu.dma_semaphore, #tpu.memory_space<semaphore_mem>>)
        %dma_wait3A = arith.constant 0 : i32
        %dma_wait3A_55 = arith.constant 0 : i32
        %dma_wait3A_56 = tpu.memref_slice %arg9[%run_scoped3A_41, %dma_wait3A, %dma_wait3A_55] : memref<2x128x128xf32, #tpu.memory_space<vmem>> -> memref<1x128x128xf32, #tpu.memory_space<vmem>>
        %dma_wait3A_57 = tpu.memref_squeeze %dma_wait3A_56 : memref<1x128x128xf32, #tpu.memory_space<vmem>> -> memref<128x128xf32, #tpu.memory_space<vmem>>
        %dma_wait3A_58 = arith.constant 0 : i32
        %dma_wait3A_59 = tpu.memref_slice %arg10[%add3A_40, %dma_wait3A_58] : memref<10496x128xf32, #tpu.memory_space<vmem_shared>> -> memref<128x128xf32, #tpu.memory_space<vmem_shared>>
        %dma_wait3A_60 = arith.constant 0 : i32
        %dma_wait3A_61 = tpu.memref_slice %arg10[%add3A_40, %dma_wait3A_60] : memref<10496x128xf32, #tpu.memory_space<vmem_shared>> -> memref<128x128xf32, #tpu.memory_space<vmem_shared>>
        %dma_wait3A_62 = arith.constant 0 : i32
        %dma_wait3A_63 = arith.constant 0 : i32
        %dma_wait3A_64 = tpu.memref_slice %arg9[%run_scoped3A_41, %dma_wait3A_62, %dma_wait3A_63] : memref<2x128x128xf32, #tpu.memory_space<vmem>> -> memref<1x128x128xf32, #tpu.memory_space<vmem>>
        %dma_wait3A_65 = tpu.memref_squeeze %dma_wait3A_64 : memref<1x128x128xf32, #tpu.memory_space<vmem>> -> memref<128x128xf32, #tpu.memory_space<vmem>>
        tpu.wait_dma2 semaphore(%run_scoped3A_42 : memref<!tpu.dma_semaphore, #tpu.memory_space<semaphore_mem>>) src(%dma_wait3A_65 : memref<128x128xf32, #tpu.memory_space<vmem>>) dst(%dma_wait3A_61 : memref<128x128xf32, #tpu.memory_space<vmem_shared>>)
        tpu.yield
      }) : () -> ()
    }
    %scan3A_7 = arith.constant 5 : i32
    %add3A_8 = arith.constant 640 : i32
    %add3A_9 = arith.addi %mul3A_2, %add3A_8 : i32
    %run_scoped3A_10 = arith.constant 0 : i32
    "tpu.region"() ({
      %run_scoped3A_37 = tpu.sem_alloc : memref<!tpu.dma_semaphore, #tpu.memory_space<semaphore_mem>>
      %dma_start3A_38 = arith.constant 0 : i32
      %dma_start3A_39 = arith.constant 0 : i32
      %dma_start3A_40 = tpu.memref_slice %arg9[%run_scoped3A_10, %dma_start3A_38, %dma_start3A_39] : memref<2x128x128xf32, #tpu.memory_space<vmem>> -> memref<1x128x128xf32, #tpu.memory_space<vmem>>
      %dma_start3A_41 = tpu.memref_squeeze %dma_start3A_40 : memref<1x128x128xf32, #tpu.memory_space<vmem>> -> memref<128x128xf32, #tpu.memory_space<vmem>>
      %dma_start3A_42 = arith.constant 0 : i32
      %dma_start3A_43 = arith.constant 0 : i32
      %dma_start3A_44 = tpu.memref_slice %dma_start3A_41[%dma_start3A_42, %dma_start3A_43] : memref<128x128xf32, #tpu.memory_space<vmem>> -> memref<16x128xf32, #tpu.memory_space<vmem>>
      %dma_start3A_45 = arith.constant 0 : i32
      %dma_start3A_46 = tpu.memref_slice %arg10[%add3A_9, %dma_start3A_45] : memref<10496x128xf32, #tpu.memory_space<vmem_shared>> -> memref<16x128xf32, #tpu.memory_space<vmem_shared>>
      %dma_start3A_47 = arith.constant 0 : i32
      %dma_start3A_48 = tpu.memref_slice %arg10[%add3A_9, %dma_start3A_47] : memref<10496x128xf32, #tpu.memory_space<vmem_shared>> -> memref<16x128xf32, #tpu.memory_space<vmem_shared>>
      %dma_start3A_49 = arith.constant 0 : i32
      %dma_start3A_50 = arith.constant 0 : i32
      %dma_start3A_51 = tpu.memref_slice %arg9[%run_scoped3A_10, %dma_start3A_49, %dma_start3A_50] : memref<2x128x128xf32, #tpu.memory_space<vmem>> -> memref<1x128x128xf32, #tpu.memory_space<vmem>>
      %dma_start3A_52 = tpu.memref_squeeze %dma_start3A_51 : memref<1x128x128xf32, #tpu.memory_space<vmem>> -> memref<128x128xf32, #tpu.memory_space<vmem>>
      %dma_start3A_53 = arith.constant 0 : i32
      %dma_start3A_54 = arith.constant 0 : i32
      %dma_start3A_55 = tpu.memref_slice %dma_start3A_52[%dma_start3A_53, %dma_start3A_54] : memref<128x128xf32, #tpu.memory_space<vmem>> -> memref<16x128xf32, #tpu.memory_space<vmem>>
      tpu.enqueue_dma source(%dma_start3A_55 : memref<16x128xf32, #tpu.memory_space<vmem>>) target(%dma_start3A_48 : memref<16x128xf32, #tpu.memory_space<vmem_shared>>) target_semaphore(%run_scoped3A_37 : memref<!tpu.dma_semaphore, #tpu.memory_space<semaphore_mem>>)
      %dma_wait3A = arith.constant 0 : i32
      %dma_wait3A_56 = arith.constant 0 : i32
      %dma_wait3A_57 = tpu.memref_slice %arg9[%run_scoped3A_10, %dma_wait3A, %dma_wait3A_56] : memref<2x128x128xf32, #tpu.memory_space<vmem>> -> memref<1x128x128xf32, #tpu.memory_space<vmem>>
      %dma_wait3A_58 = tpu.memref_squeeze %dma_wait3A_57 : memref<1x128x128xf32, #tpu.memory_space<vmem>> -> memref<128x128xf32, #tpu.memory_space<vmem>>
      %dma_wait3A_59 = arith.constant 0 : i32
      %dma_wait3A_60 = arith.constant 0 : i32
      %dma_wait3A_61 = tpu.memref_slice %dma_wait3A_58[%dma_wait3A_59, %dma_wait3A_60] : memref<128x128xf32, #tpu.memory_space<vmem>> -> memref<16x128xf32, #tpu.memory_space<vmem>>
      %dma_wait3A_62 = arith.constant 0 : i32
      %dma_wait3A_63 = tpu.memref_slice %arg10[%add3A_9, %dma_wait3A_62] : memref<10496x128xf32, #tpu.memory_space<vmem_shared>> -> memref<16x128xf32, #tpu.memory_space<vmem_shared>>
      %dma_wait3A_64 = arith.constant 0 : i32
      %dma_wait3A_65 = tpu.memref_slice %arg10[%add3A_9, %dma_wait3A_64] : memref<10496x128xf32, #tpu.memory_space<vmem_shared>> -> memref<16x128xf32, #tpu.memory_space<vmem_shared>>
      %dma_wait3A_66 = arith.constant 0 : i32
      %dma_wait3A_67 = arith.constant 0 : i32
      %dma_wait3A_68 = tpu.memref_slice %arg9[%run_scoped3A_10, %dma_wait3A_66, %dma_wait3A_67] : memref<2x128x128xf32, #tpu.memory_space<vmem>> -> memref<1x128x128xf32, #tpu.memory_space<vmem>>
      %dma_wait3A_69 = tpu.memref_squeeze %dma_wait3A_68 : memref<1x128x128xf32, #tpu.memory_space<vmem>> -> memref<128x128xf32, #tpu.memory_space<vmem>>
      %dma_wait3A_70 = arith.constant 0 : i32
      %dma_wait3A_71 = arith.constant 0 : i32
      %dma_wait3A_72 = tpu.memref_slice %dma_wait3A_69[%dma_wait3A_70, %dma_wait3A_71] : memref<128x128xf32, #tpu.memory_space<vmem>> -> memref<16x128xf32, #tpu.memory_space<vmem>>
      tpu.wait_dma2 semaphore(%run_scoped3A_37 : memref<!tpu.dma_semaphore, #tpu.memory_space<semaphore_mem>>) src(%dma_wait3A_72 : memref<16x128xf32, #tpu.memory_space<vmem>>) dst(%dma_wait3A_65 : memref<16x128xf32, #tpu.memory_space<vmem_shared>>)
      tpu.yield
    }) : () -> ()
    %barrier3A = arith.constant 0 : index
    tpu.barrier barrier_id(%barrier3A)
    %dma_start3A = arith.constant 0 : i32
    %dma_start3A_11 = arith.constant 0 : i32
    %dma_start3A_12 = arith.constant 0 : i32
    %dma_start3A_13 = arith.constant 0 : i32
    %dma_start3A_14 = tpu.memref_slice %arg9[%dma_start3A_11, %dma_start3A_12, %dma_start3A_13] : memref<2x128x128xf32, #tpu.memory_space<vmem>> -> memref<1x128x128xf32, #tpu.memory_space<vmem>>
    %dma_start3A_15 = tpu.memref_squeeze %dma_start3A_14 : memref<1x128x128xf32, #tpu.memory_space<vmem>> -> memref<128x128xf32, #tpu.memory_space<vmem>>
    %dma_start3A_16 = arith.constant 0 : i32
    %dma_start3A_17 = tpu.memref_slice %arg7[%dma_start3A, %dma_start3A_16] : memref<40x128xi32, #tpu.memory_space<vmem>> -> memref<1x128xi32, #tpu.memory_space<vmem>>
    %dma_start3A_18 = tpu.memref_squeeze %dma_start3A_17 : memref<1x128xi32, #tpu.memory_space<vmem>> -> memref<128xi32, #tpu.memory_space<vmem>>
    %dma_start3A_19 = arith.constant 0 : i32
    %dma_start3A_20 = arith.constant 0 : i32
    %dma_start3A_21 = tpu.memref_slice %arg2[%dma_start3A_19, %dma_start3A_20] : memref<10240x128xf32, #tpu.memory_space<hbm>> -> memref<10240x128xf32, #tpu.memory_space<hbm>>
    tpu.enqueue_indirect_dma source(%dma_start3A_21 : memref<10240x128xf32, #tpu.memory_space<hbm>>) target(%dma_start3A_15 : memref<128x128xf32, #tpu.memory_space<vmem>>) offsets(%dma_start3A_18 : memref<128xi32, #tpu.memory_space<vmem>>) semaphore(%arg11 : memref<!tpu.dma_semaphore, #tpu.memory_space<semaphore_mem>>)
    %scan3A_22 = arith.constant 0 : i32
    %scan3A_23 = arith.constant 0 : i32
    %scan3A_24 = arith.constant 20 : i32
    %scan3A_25 = arith.addi %scan3A_23, %scan3A_24 : i32
    %scan3A_26 = arith.constant 1 : i32
    scf.for %scan3A_37 = %scan3A_23 to %scan3A_25 step %scan3A_26  : i32 {
      %mul3A_38 = arith.constant 2 : i32
      %mul3A_39 = arith.muli %mul3A_38, %scan3A_37 : i32
      %mul3A_40 = arith.constant 2 : i32
      %mul3A_41 = arith.muli %mul3A_40, %scan3A_37 : i32
      %add3A_42 = arith.constant 1 : i32
      %add3A_43 = arith.addi %mul3A_41, %add3A_42 : i32
      %dma_start3A_44 = arith.constant 1 : i32
      %dma_start3A_45 = arith.constant 0 : i32
      %dma_start3A_46 = arith.constant 0 : i32
      %dma_start3A_47 = tpu.memref_slice %arg9[%dma_start3A_44, %dma_start3A_45, %dma_start3A_46] : memref<2x128x128xf32, #tpu.memory_space<vmem>> -> memref<1x128x128xf32, #tpu.memory_space<vmem>>
      %dma_start3A_48 = tpu.memref_squeeze %dma_start3A_47 : memref<1x128x128xf32, #tpu.memory_space<vmem>> -> memref<128x128xf32, #tpu.memory_space<vmem>>
      %dma_start3A_49 = arith.constant 0 : i32
      %dma_start3A_50 = tpu.memref_slice %arg7[%add3A_43, %dma_start3A_49] : memref<40x128xi32, #tpu.memory_space<vmem>> -> memref<1x128xi32, #tpu.memory_space<vmem>>
      %dma_start3A_51 = tpu.memref_squeeze %dma_start3A_50 : memref<1x128xi32, #tpu.memory_space<vmem>> -> memref<128xi32, #tpu.memory_space<vmem>>
      %dma_start3A_52 = arith.constant 0 : i32
      %dma_start3A_53 = arith.constant 0 : i32
      %dma_start3A_54 = tpu.memref_slice %arg2[%dma_start3A_52, %dma_start3A_53] : memref<10240x128xf32, #tpu.memory_space<hbm>> -> memref<10240x128xf32, #tpu.memory_space<hbm>>
      tpu.enqueue_indirect_dma source(%dma_start3A_54 : memref<10240x128xf32, #tpu.memory_space<hbm>>) target(%dma_start3A_48 : memref<128x128xf32, #tpu.memory_space<vmem>>) offsets(%dma_start3A_51 : memref<128xi32, #tpu.memory_space<vmem>>) semaphore(%arg12 : memref<!tpu.dma_semaphore, #tpu.memory_space<semaphore_mem>>)
      %dma_wait3A = arith.constant 0 : i32
      %dma_wait3A_55 = arith.constant 0 : i32
      %dma_wait3A_56 = arith.constant 0 : i32
      %dma_wait3A_57 = tpu.memref_slice %arg9[%dma_wait3A, %dma_wait3A_55, %dma_wait3A_56] : memref<2x128x128xf32, #tpu.memory_space<vmem>> -> memref<1x128x128xf32, #tpu.memory_space<vmem>>
      %dma_wait3A_58 = tpu.memref_squeeze %dma_wait3A_57 : memref<1x128x128xf32, #tpu.memory_space<vmem>> -> memref<128x128xf32, #tpu.memory_space<vmem>>
      %dma_wait3A_59 = arith.constant 0 : i32
      %dma_wait3A_60 = tpu.memref_slice %arg7[%mul3A_39, %dma_wait3A_59] : memref<40x128xi32, #tpu.memory_space<vmem>> -> memref<1x128xi32, #tpu.memory_space<vmem>>
      %dma_wait3A_61 = tpu.memref_squeeze %dma_wait3A_60 : memref<1x128xi32, #tpu.memory_space<vmem>> -> memref<128xi32, #tpu.memory_space<vmem>>
      %dma_wait3A_62 = arith.constant 0 : i32
      %dma_wait3A_63 = arith.constant 0 : i32
      %dma_wait3A_64 = tpu.memref_slice %arg2[%dma_wait3A_62, %dma_wait3A_63] : memref<10240x128xf32, #tpu.memory_space<hbm>> -> memref<10240x128xf32, #tpu.memory_space<hbm>>
      tpu.wait_indirect_dma semaphore(%arg11 : memref<!tpu.dma_semaphore, #tpu.memory_space<semaphore_mem>>) src(%dma_wait3A_64 : memref<10240x128xf32, #tpu.memory_space<hbm>>) dst(%dma_wait3A_58 : memref<128x128xf32, #tpu.memory_space<vmem>>)
      %run_scoped3A_65 = arith.constant 0 : i32
      "tpu.region"() ({
        %run_scoped3A_82 = tpu.sem_alloc : memref<!tpu.dma_semaphore, #tpu.memory_space<semaphore_mem>>
        %dma_start3A_83 = arith.constant 0 : i32
        %dma_start3A_84 = arith.constant 0 : i32
        %dma_start3A_85 = tpu.memref_slice %arg9[%run_scoped3A_65, %dma_start3A_83, %dma_start3A_84] : memref<2x128x128xf32, #tpu.memory_space<vmem>> -> memref<1x128x128xf32, #tpu.memory_space<vmem>>
        %dma_start3A_86 = tpu.memref_squeeze %dma_start3A_85 : memref<1x128x128xf32, #tpu.memory_space<vmem>> -> memref<128x128xf32, #tpu.memory_space<vmem>>
        %dma_start3A_87 = arith.constant 0 : i32
        %dma_start3A_88 = tpu.memref_slice %arg8[%mul3A_39, %dma_start3A_87] : memref<40x128xi32, #tpu.memory_space<vmem>> -> memref<1x128xi32, #tpu.memory_space<vmem>>
        %dma_start3A_89 = tpu.memref_squeeze %dma_start3A_88 : memref<1x128xi32, #tpu.memory_space<vmem>> -> memref<128xi32, #tpu.memory_space<vmem>>
        %dma_start3A_90 = arith.constant 0 : i32
        %dma_start3A_91 = arith.constant 0 : i32
        %dma_start3A_92 = tpu.memref_slice %arg10[%dma_start3A_90, %dma_start3A_91] : memref<10496x128xf32, #tpu.memory_space<vmem_shared>> -> memref<10496x128xf32, #tpu.memory_space<vmem_shared>>
        tpu.enqueue_indirect_dma source(%dma_start3A_86 : memref<128x128xf32, #tpu.memory_space<vmem>>) target(%dma_start3A_92 : memref<10496x128xf32, #tpu.memory_space<vmem_shared>>) offsets(%dma_start3A_89 : memref<128xi32, #tpu.memory_space<vmem>>) semaphore(%run_scoped3A_82 : memref<!tpu.dma_semaphore, #tpu.memory_space<semaphore_mem>>) {add = true}
        %dma_wait3A_93 = arith.constant 0 : i32
        %dma_wait3A_94 = arith.constant 0 : i32
        %dma_wait3A_95 = tpu.memref_slice %arg9[%run_scoped3A_65, %dma_wait3A_93, %dma_wait3A_94] : memref<2x128x128xf32, #tpu.memory_space<vmem>> -> memref<1x128x128xf32, #tpu.memory_space<vmem>>
        %dma_wait3A_96 = tpu.memref_squeeze %dma_wait3A_95 : memref<1x128x128xf32, #tpu.memory_space<vmem>> -> memref<128x128xf32, #tpu.memory_space<vmem>>
        %dma_wait3A_97 = arith.constant 0 : i32
        %dma_wait3A_98 = tpu.memref_slice %arg8[%mul3A_39, %dma_wait3A_97] : memref<40x128xi32, #tpu.memory_space<vmem>> -> memref<1x128xi32, #tpu.memory_space<vmem>>
        %dma_wait3A_99 = tpu.memref_squeeze %dma_wait3A_98 : memref<1x128xi32, #tpu.memory_space<vmem>> -> memref<128xi32, #tpu.memory_space<vmem>>
        %dma_wait3A_100 = arith.constant 0 : i32
        %dma_wait3A_101 = arith.constant 0 : i32
        %dma_wait3A_102 = tpu.memref_slice %arg10[%dma_wait3A_100, %dma_wait3A_101] : memref<10496x128xf32, #tpu.memory_space<vmem_shared>> -> memref<10496x128xf32, #tpu.memory_space<vmem_shared>>
        tpu.wait_indirect_dma semaphore(%run_scoped3A_82 : memref<!tpu.dma_semaphore, #tpu.memory_space<semaphore_mem>>) src(%dma_wait3A_96 : memref<128x128xf32, #tpu.memory_space<vmem>>) dst(%dma_wait3A_102 : memref<10496x128xf32, #tpu.memory_space<vmem_shared>>)
        tpu.yield
      }) : () -> ()
      %add3A_66 = arith.constant 2 : i32
      %add3A_67 = arith.addi %mul3A_39, %add3A_66 : i32
      %lt3A = arith.constant 40 : i32
      %lt3A_68 = arith.cmpi slt, %add3A_67, %lt3A : i32
      %convert_element_type3A = arith.extui %lt3A_68 : i1 to i32
      %cond3A = arith.constant 0 : i32
      %cond3A_69 = arith.cmpi ne, %convert_element_type3A, %cond3A : i32
      scf.if %cond3A_69 {
        %add3A_82 = arith.constant 2 : i32
        %add3A_83 = arith.addi %mul3A_39, %add3A_82 : i32
        %dma_start3A_84 = arith.constant 0 : i32
        %dma_start3A_85 = arith.constant 0 : i32
        %dma_start3A_86 = arith.constant 0 : i32
        %dma_start3A_87 = tpu.memref_slice %arg9[%dma_start3A_84, %dma_start3A_85, %dma_start3A_86] : memref<2x128x128xf32, #tpu.memory_space<vmem>> -> memref<1x128x128xf32, #tpu.memory_space<vmem>>
        %dma_start3A_88 = tpu.memref_squeeze %dma_start3A_87 : memref<1x128x128xf32, #tpu.memory_space<vmem>> -> memref<128x128xf32, #tpu.memory_space<vmem>>
        %dma_start3A_89 = arith.constant 0 : i32
        %dma_start3A_90 = tpu.memref_slice %arg7[%add3A_83, %dma_start3A_89] : memref<40x128xi32, #tpu.memory_space<vmem>> -> memref<1x128xi32, #tpu.memory_space<vmem>>
        %dma_start3A_91 = tpu.memref_squeeze %dma_start3A_90 : memref<1x128xi32, #tpu.memory_space<vmem>> -> memref<128xi32, #tpu.memory_space<vmem>>
        %dma_start3A_92 = arith.constant 0 : i32
        %dma_start3A_93 = arith.constant 0 : i32
        %dma_start3A_94 = tpu.memref_slice %arg2[%dma_start3A_92, %dma_start3A_93] : memref<10240x128xf32, #tpu.memory_space<hbm>> -> memref<10240x128xf32, #tpu.memory_space<hbm>>
        tpu.enqueue_indirect_dma source(%dma_start3A_94 : memref<10240x128xf32, #tpu.memory_space<hbm>>) target(%dma_start3A_88 : memref<128x128xf32, #tpu.memory_space<vmem>>) offsets(%dma_start3A_91 : memref<128xi32, #tpu.memory_space<vmem>>) semaphore(%arg11 : memref<!tpu.dma_semaphore, #tpu.memory_space<semaphore_mem>>)
      } else {
      }
      %dma_wait3A_70 = arith.constant 1 : i32
      %dma_wait3A_71 = arith.constant 0 : i32
      %dma_wait3A_72 = arith.constant 0 : i32
      %dma_wait3A_73 = tpu.memref_slice %arg9[%dma_wait3A_70, %dma_wait3A_71, %dma_wait3A_72] : memref<2x128x128xf32, #tpu.memory_space<vmem>> -> memref<1x128x128xf32, #tpu.memory_space<vmem>>
      %dma_wait3A_74 = tpu.memref_squeeze %dma_wait3A_73 : memref<1x128x128xf32, #tpu.memory_space<vmem>> -> memref<128x128xf32, #tpu.memory_space<vmem>>
      %dma_wait3A_75 = arith.constant 0 : i32
      %dma_wait3A_76 = tpu.memref_slice %arg7[%add3A_43, %dma_wait3A_75] : memref<40x128xi32, #tpu.memory_space<vmem>> -> memref<1x128xi32, #tpu.memory_space<vmem>>
      %dma_wait3A_77 = tpu.memref_squeeze %dma_wait3A_76 : memref<1x128xi32, #tpu.memory_space<vmem>> -> memref<128xi32, #tpu.memory_space<vmem>>
      %dma_wait3A_78 = arith.constant 0 : i32
      %dma_wait3A_79 = arith.constant 0 : i32
      %dma_wait3A_80 = tpu.memref_slice %arg2[%dma_wait3A_78, %dma_wait3A_79] : memref<10240x128xf32, #tpu.memory_space<hbm>> -> memref<10240x128xf32, #tpu.memory_space<hbm>>
      tpu.wait_indirect_dma semaphore(%arg12 : memref<!tpu.dma_semaphore, #tpu.memory_space<semaphore_mem>>) src(%dma_wait3A_80 : memref<10240x128xf32, #tpu.memory_space<hbm>>) dst(%dma_wait3A_74 : memref<128x128xf32, #tpu.memory_space<vmem>>)
      %run_scoped3A_81 = arith.constant 1 : i32
      "tpu.region"() ({
        %run_scoped3A_82 = tpu.sem_alloc : memref<!tpu.dma_semaphore, #tpu.memory_space<semaphore_mem>>
        %dma_start3A_83 = arith.constant 0 : i32
        %dma_start3A_84 = arith.constant 0 : i32
        %dma_start3A_85 = tpu.memref_slice %arg9[%run_scoped3A_81, %dma_start3A_83, %dma_start3A_84] : memref<2x128x128xf32, #tpu.memory_space<vmem>> -> memref<1x128x128xf32, #tpu.memory_space<vmem>>
        %dma_start3A_86 = tpu.memref_squeeze %dma_start3A_85 : memref<1x128x128xf32, #tpu.memory_space<vmem>> -> memref<128x128xf32, #tpu.memory_space<vmem>>
        %dma_start3A_87 = arith.constant 0 : i32
        %dma_start3A_88 = tpu.memref_slice %arg8[%add3A_43, %dma_start3A_87] : memref<40x128xi32, #tpu.memory_space<vmem>> -> memref<1x128xi32, #tpu.memory_space<vmem>>
        %dma_start3A_89 = tpu.memref_squeeze %dma_start3A_88 : memref<1x128xi32, #tpu.memory_space<vmem>> -> memref<128xi32, #tpu.memory_space<vmem>>
        %dma_start3A_90 = arith.constant 0 : i32
        %dma_start3A_91 = arith.constant 0 : i32
        %dma_start3A_92 = tpu.memref_slice %arg10[%dma_start3A_90, %dma_start3A_91] : memref<10496x128xf32, #tpu.memory_space<vmem_shared>> -> memref<10496x128xf32, #tpu.memory_space<vmem_shared>>
        tpu.enqueue_indirect_dma source(%dma_start3A_86 : memref<128x128xf32, #tpu.memory_space<vmem>>) target(%dma_start3A_92 : memref<10496x128xf32, #tpu.memory_space<vmem_shared>>) offsets(%dma_start3A_89 : memref<128xi32, #tpu.memory_space<vmem>>) semaphore(%run_scoped3A_82 : memref<!tpu.dma_semaphore, #tpu.memory_space<semaphore_mem>>) {add = true}
        %dma_wait3A_93 = arith.constant 0 : i32
        %dma_wait3A_94 = arith.constant 0 : i32
        %dma_wait3A_95 = tpu.memref_slice %arg9[%run_scoped3A_81, %dma_wait3A_93, %dma_wait3A_94] : memref<2x128x128xf32, #tpu.memory_space<vmem>> -> memref<1x128x128xf32, #tpu.memory_space<vmem>>
        %dma_wait3A_96 = tpu.memref_squeeze %dma_wait3A_95 : memref<1x128x128xf32, #tpu.memory_space<vmem>> -> memref<128x128xf32, #tpu.memory_space<vmem>>
        %dma_wait3A_97 = arith.constant 0 : i32
        %dma_wait3A_98 = tpu.memref_slice %arg8[%add3A_43, %dma_wait3A_97] : memref<40x128xi32, #tpu.memory_space<vmem>> -> memref<1x128xi32, #tpu.memory_space<vmem>>
        %dma_wait3A_99 = tpu.memref_squeeze %dma_wait3A_98 : memref<1x128xi32, #tpu.memory_space<vmem>> -> memref<128xi32, #tpu.memory_space<vmem>>
        %dma_wait3A_100 = arith.constant 0 : i32
        %dma_wait3A_101 = arith.constant 0 : i32
        %dma_wait3A_102 = tpu.memref_slice %arg10[%dma_wait3A_100, %dma_wait3A_101] : memref<10496x128xf32, #tpu.memory_space<vmem_shared>> -> memref<10496x128xf32, #tpu.memory_space<vmem_shared>>
        tpu.wait_indirect_dma semaphore(%run_scoped3A_82 : memref<!tpu.dma_semaphore, #tpu.memory_space<semaphore_mem>>) src(%dma_wait3A_96 : memref<128x128xf32, #tpu.memory_space<vmem>>) dst(%dma_wait3A_102 : memref<10496x128xf32, #tpu.memory_space<vmem_shared>>)
        tpu.yield
      }) : () -> ()
    }
    %scan3A_27 = arith.constant 20 : i32
    %barrier3A_28 = arith.constant 0 : index
    tpu.barrier barrier_id(%barrier3A_28)
    %mul3A_29 = arith.constant 640 : i32
    %mul3A_30 = arith.muli %arg1, %mul3A_29 : i32
    %scan3A_31 = arith.constant 0 : i32
    %scan3A_32 = arith.constant 0 : i32
    %scan3A_33 = arith.constant 5 : i32
    %scan3A_34 = arith.addi %scan3A_32, %scan3A_33 : i32
    %scan3A_35 = arith.constant 1 : i32
    scf.for %scan3A_37 = %scan3A_32 to %scan3A_34 step %scan3A_35  : i32 {
      %mul3A_38 = arith.constant 128 : i32
      %mul3A_39 = arith.muli %scan3A_37, %mul3A_38 : i32
      %add3A_40 = arith.addi %mul3A_30, %mul3A_39 : i32
      %run_scoped3A_41 = arith.constant 0 : i32
      "tpu.region"() ({
        %run_scoped3A_46 = tpu.sem_alloc : memref<!tpu.dma_semaphore, #tpu.memory_space<semaphore_mem>>
        %dma_start3A_47 = arith.constant 0 : i32
        %dma_start3A_48 = arith.constant 0 : i32
        %dma_start3A_49 = tpu.memref_slice %arg9[%run_scoped3A_41, %dma_start3A_47, %dma_start3A_48] : memref<2x128x128xf32, #tpu.memory_space<vmem>> -> memref<1x128x128xf32, #tpu.memory_space<vmem>>
        %dma_start3A_50 = tpu.memref_squeeze %dma_start3A_49 : memref<1x128x128xf32, #tpu.memory_space<vmem>> -> memref<128x128xf32, #tpu.memory_space<vmem>>
        %dma_start3A_51 = arith.constant 0 : i32
        %dma_start3A_52 = tpu.memref_slice %arg10[%add3A_40, %dma_start3A_51] : memref<10496x128xf32, #tpu.memory_space<vmem_shared>> -> memref<128x128xf32, #tpu.memory_space<vmem_shared>>
        %dma_start3A_53 = arith.constant 0 : i32
        %dma_start3A_54 = arith.constant 0 : i32
        %dma_start3A_55 = tpu.memref_slice %arg9[%run_scoped3A_41, %dma_start3A_53, %dma_start3A_54] : memref<2x128x128xf32, #tpu.memory_space<vmem>> -> memref<1x128x128xf32, #tpu.memory_space<vmem>>
        %dma_start3A_56 = tpu.memref_squeeze %dma_start3A_55 : memref<1x128x128xf32, #tpu.memory_space<vmem>> -> memref<128x128xf32, #tpu.memory_space<vmem>>
        %dma_start3A_57 = arith.constant 0 : i32
        %dma_start3A_58 = tpu.memref_slice %arg10[%add3A_40, %dma_start3A_57] : memref<10496x128xf32, #tpu.memory_space<vmem_shared>> -> memref<128x128xf32, #tpu.memory_space<vmem_shared>>
        tpu.enqueue_dma source(%dma_start3A_58 : memref<128x128xf32, #tpu.memory_space<vmem_shared>>) target(%dma_start3A_56 : memref<128x128xf32, #tpu.memory_space<vmem>>) target_semaphore(%run_scoped3A_46 : memref<!tpu.dma_semaphore, #tpu.memory_space<semaphore_mem>>)
        %dma_wait3A = arith.constant 0 : i32
        %dma_wait3A_59 = arith.constant 0 : i32
        %dma_wait3A_60 = tpu.memref_slice %arg9[%run_scoped3A_41, %dma_wait3A, %dma_wait3A_59] : memref<2x128x128xf32, #tpu.memory_space<vmem>> -> memref<1x128x128xf32, #tpu.memory_space<vmem>>
        %dma_wait3A_61 = tpu.memref_squeeze %dma_wait3A_60 : memref<1x128x128xf32, #tpu.memory_space<vmem>> -> memref<128x128xf32, #tpu.memory_space<vmem>>
        %dma_wait3A_62 = arith.constant 0 : i32
        %dma_wait3A_63 = tpu.memref_slice %arg10[%add3A_40, %dma_wait3A_62] : memref<10496x128xf32, #tpu.memory_space<vmem_shared>> -> memref<128x128xf32, #tpu.memory_space<vmem_shared>>
        %dma_wait3A_64 = arith.constant 0 : i32
        %dma_wait3A_65 = arith.constant 0 : i32
        %dma_wait3A_66 = tpu.memref_slice %arg9[%run_scoped3A_41, %dma_wait3A_64, %dma_wait3A_65] : memref<2x128x128xf32, #tpu.memory_space<vmem>> -> memref<1x128x128xf32, #tpu.memory_space<vmem>>
        %dma_wait3A_67 = tpu.memref_squeeze %dma_wait3A_66 : memref<1x128x128xf32, #tpu.memory_space<vmem>> -> memref<128x128xf32, #tpu.memory_space<vmem>>
        %dma_wait3A_68 = arith.constant 0 : i32
        %dma_wait3A_69 = tpu.memref_slice %arg10[%add3A_40, %dma_wait3A_68] : memref<10496x128xf32, #tpu.memory_space<vmem_shared>> -> memref<128x128xf32, #tpu.memory_space<vmem_shared>>
        tpu.wait_dma2 semaphore(%run_scoped3A_46 : memref<!tpu.dma_semaphore, #tpu.memory_space<semaphore_mem>>) src(%dma_wait3A_69 : memref<128x128xf32, #tpu.memory_space<vmem_shared>>) dst(%dma_wait3A_67 : memref<128x128xf32, #tpu.memory_space<vmem>>)
        tpu.yield
      }) : () -> ()
      %mul3A_42 = arith.constant 128 : i32
      %mul3A_43 = arith.muli %scan3A_37, %mul3A_42 : i32
      %add3A_44 = arith.addi %mul3A_30, %mul3A_43 : i32
      %run_scoped3A_45 = arith.constant 0 : i32
      "tpu.region"() ({
        %run_scoped3A_46 = tpu.sem_alloc : memref<!tpu.dma_semaphore, #tpu.memory_space<semaphore_mem>>
        %dma_start3A_47 = arith.constant 0 : i32
        %dma_start3A_48 = arith.constant 0 : i32
        %dma_start3A_49 = tpu.memref_slice %arg9[%run_scoped3A_45, %dma_start3A_47, %dma_start3A_48] : memref<2x128x128xf32, #tpu.memory_space<vmem>> -> memref<1x128x128xf32, #tpu.memory_space<vmem>>
        %dma_start3A_50 = tpu.memref_squeeze %dma_start3A_49 : memref<1x128x128xf32, #tpu.memory_space<vmem>> -> memref<128x128xf32, #tpu.memory_space<vmem>>
        %dma_start3A_51 = arith.constant 0 : i32
        %dma_start3A_52 = arith.constant 0 : i32
        %dma_start3A_53 = tpu.memref_slice %arg6[%arg0, %dma_start3A_51, %dma_start3A_52] : memref<2x10240x128xf32, #tpu.memory_space<hbm>> -> memref<1x10240x128xf32, #tpu.memory_space<hbm>>
        %dma_start3A_54 = tpu.memref_squeeze %dma_start3A_53 : memref<1x10240x128xf32, #tpu.memory_space<hbm>> -> memref<10240x128xf32, #tpu.memory_space<hbm>>
        %dma_start3A_55 = arith.constant 0 : i32
        %dma_start3A_56 = tpu.memref_slice %dma_start3A_54[%add3A_44, %dma_start3A_55] : memref<10240x128xf32, #tpu.memory_space<hbm>> -> memref<128x128xf32, #tpu.memory_space<hbm>>
        %dma_start3A_57 = arith.constant 0 : i32
        %dma_start3A_58 = arith.constant 0 : i32
        %dma_start3A_59 = tpu.memref_slice %arg6[%arg0, %dma_start3A_57, %dma_start3A_58] : memref<2x10240x128xf32, #tpu.memory_space<hbm>> -> memref<1x10240x128xf32, #tpu.memory_space<hbm>>
        %dma_start3A_60 = tpu.memref_squeeze %dma_start3A_59 : memref<1x10240x128xf32, #tpu.memory_space<hbm>> -> memref<10240x128xf32, #tpu.memory_space<hbm>>
        %dma_start3A_61 = arith.constant 0 : i32
        %dma_start3A_62 = tpu.memref_slice %dma_start3A_60[%add3A_44, %dma_start3A_61] : memref<10240x128xf32, #tpu.memory_space<hbm>> -> memref<128x128xf32, #tpu.memory_space<hbm>>
        %dma_start3A_63 = arith.constant 0 : i32
        %dma_start3A_64 = arith.constant 0 : i32
        %dma_start3A_65 = tpu.memref_slice %arg9[%run_scoped3A_45, %dma_start3A_63, %dma_start3A_64] : memref<2x128x128xf32, #tpu.memory_space<vmem>> -> memref<1x128x128xf32, #tpu.memory_space<vmem>>
        %dma_start3A_66 = tpu.memref_squeeze %dma_start3A_65 : memref<1x128x128xf32, #tpu.memory_space<vmem>> -> memref<128x128xf32, #tpu.memory_space<vmem>>
        tpu.enqueue_dma source(%dma_start3A_66 : memref<128x128xf32, #tpu.memory_space<vmem>>) target(%dma_start3A_62 : memref<128x128xf32, #tpu.memory_space<hbm>>) target_semaphore(%run_scoped3A_46 : memref<!tpu.dma_semaphore, #tpu.memory_space<semaphore_mem>>)
        %dma_wait3A = arith.constant 0 : i32
        %dma_wait3A_67 = arith.constant 0 : i32
        %dma_wait3A_68 = tpu.memref_slice %arg9[%run_scoped3A_45, %dma_wait3A, %dma_wait3A_67] : memref<2x128x128xf32, #tpu.memory_space<vmem>> -> memref<1x128x128xf32, #tpu.memory_space<vmem>>
        %dma_wait3A_69 = tpu.memref_squeeze %dma_wait3A_68 : memref<1x128x128xf32, #tpu.memory_space<vmem>> -> memref<128x128xf32, #tpu.memory_space<vmem>>
        %dma_wait3A_70 = arith.constant 0 : i32
        %dma_wait3A_71 = arith.constant 0 : i32
        %dma_wait3A_72 = tpu.memref_slice %arg6[%arg0, %dma_wait3A_70, %dma_wait3A_71] : memref<2x10240x128xf32, #tpu.memory_space<hbm>> -> memref<1x10240x128xf32, #tpu.memory_space<hbm>>
        %dma_wait3A_73 = tpu.memref_squeeze %dma_wait3A_72 : memref<1x10240x128xf32, #tpu.memory_space<hbm>> -> memref<10240x128xf32, #tpu.memory_space<hbm>>
        %dma_wait3A_74 = arith.constant 0 : i32
        %dma_wait3A_75 = tpu.memref_slice %dma_wait3A_73[%add3A_44, %dma_wait3A_74] : memref<10240x128xf32, #tpu.memory_space<hbm>> -> memref<128x128xf32, #tpu.memory_space<hbm>>
        %dma_wait3A_76 = arith.constant 0 : i32
        %dma_wait3A_77 = arith.constant 0 : i32
        %dma_wait3A_78 = tpu.memref_slice %arg6[%arg0, %dma_wait3A_76, %dma_wait3A_77] : memref<2x10240x128xf32, #tpu.memory_space<hbm>> -> memref<1x10240x128xf32, #tpu.memory_space<hbm>>
        %dma_wait3A_79 = tpu.memref_squeeze %dma_wait3A_78 : memref<1x10240x128xf32, #tpu.memory_space<hbm>> -> memref<10240x128xf32, #tpu.memory_space<hbm>>
        %dma_wait3A_80 = arith.constant 0 : i32
        %dma_wait3A_81 = tpu.memref_slice %dma_wait3A_79[%add3A_44, %dma_wait3A_80] : memref<10240x128xf32, #tpu.memory_space<hbm>> -> memref<128x128xf32, #tpu.memory_space<hbm>>
        %dma_wait3A_82 = arith.constant 0 : i32
        %dma_wait3A_83 = arith.constant 0 : i32
        %dma_wait3A_84 = tpu.memref_slice %arg9[%run_scoped3A_45, %dma_wait3A_82, %dma_wait3A_83] : memref<2x128x128xf32, #tpu.memory_space<vmem>> -> memref<1x128x128xf32, #tpu.memory_space<vmem>>
        %dma_wait3A_85 = tpu.memref_squeeze %dma_wait3A_84 : memref<1x128x128xf32, #tpu.memory_space<vmem>> -> memref<128x128xf32, #tpu.memory_space<vmem>>
        tpu.wait_dma2 semaphore(%run_scoped3A_46 : memref<!tpu.dma_semaphore, #tpu.memory_space<semaphore_mem>>) src(%dma_wait3A_85 : memref<128x128xf32, #tpu.memory_space<vmem>>) dst(%dma_wait3A_81 : memref<128x128xf32, #tpu.memory_space<hbm>>)
        tpu.yield
      }) : () -> ()
    }
    %scan3A_36 = arith.constant 5 : i32
    return
  }
}

module attributes {stable_mosaic.version = 14 : i64} {
  func.func @_k3_body(%arg0: i32, %arg1: memref<1024x128xf32, #tpu.memory_space<vmem>>, %arg2: memref<128x256xf32, #tpu.memory_space<vmem>>, %arg3: memref<16x1024xf32, #tpu.memory_space<vmem>>, %arg4: memref<1024x128xf32, #tpu.memory_space<vmem>>, %arg5: memref<1024x128xf32, #tpu.memory_space<vmem>>) attributes {dimension_semantics = [#tpu.dimension_semantics<arbitrary>], iteration_bounds = array<i64: 10>, scalar_prefetch = 0 : i64, scratch_operands = 0 : i64, tpu.core_type = #tpu.core_type<tc>, window_params = [{transform_indices = @transform_0, window_bounds = array<i64: 1024, 128>}, {pipeline_mode = #tpu.pipeline_mode<synchronous>, transform_indices = @transform_1, window_bounds = array<i64: 128, 256>}, {transform_indices = @transform_2, window_bounds = array<i64: 16, 1024>}, {transform_indices = @transform_3, window_bounds = array<i64: 1024, 128>}, {transform_indices = @transform_4, window_bounds = array<i64: 1024, 128>}]} {
    %get3A = arith.constant 0 : index
    %get3A_0 = arith.constant 0 : index
    %get3A_1 = vector.load %arg1[%get3A, %get3A_0] : memref<1024x128xf32, #tpu.memory_space<vmem>>, vector<1024x128xf32>
    %get3A_2 = arith.constant 0 : index
    %get3A_3 = arith.constant 0 : index
    %get3A_4 = vector.load %arg2[%get3A_2, %get3A_3] : memref<128x256xf32, #tpu.memory_space<vmem>>, vector<128x256xf32>
    %dot_general3A = arith.constant dense<0.000000e+00> : vector<1024x256xf32>
    %dot_general3A_5 = tpu.matmul %get3A_1, %get3A_4, %dot_general3A {dimension_numbers = #tpu.dot_dimension_numbers<[1], [0], [0], [1], [0, 0, 1, 1], [], []>, transpose_lhs_hint = false} : vector<1024x128xf32>, vector<128x256xf32>, vector<1024x256xf32> -> vector<1024x256xf32>
    %get3A_6 = arith.constant 0 : index
    %get3A_7 = arith.constant 0 : index
    %get3A_8 = vector.load %arg3[%get3A_6, %get3A_7] : memref<16x1024xf32, #tpu.memory_space<vmem>>, vector<16x1024xf32>
    %reduce_sum3A = arith.constant dense<0.000000e+00> : vector<1024xf32>
    %reduce_sum3A_9 = vector.multi_reduction <add>, %get3A_8, %reduce_sum3A [0] : vector<16x1024xf32> to vector<1024xf32>
    %add3A = arith.constant 1.000000e+00 : f32
    %add3A_10 = vector.broadcast %add3A : f32 to vector<1024xf32>
    %add3A_11 = arith.addf %reduce_sum3A_9, %add3A_10 : vector<1024xf32>
    %rsqrt3A = math.rsqrt %add3A_11 : vector<1024xf32>
    %broadcast_in_dim3A = vector.shape_cast %rsqrt3A : vector<1024xf32> to vector<1024x1xf32>
    %slice3A = vector.extract_strided_slice %dot_general3A_5 {offsets = [0, 0], sizes = [1024, 128], strides = [1, 1]} : vector<1024x256xf32> to vector<1024x128xf32>
    %mul3A = vector.broadcast %broadcast_in_dim3A : vector<1024x1xf32> to vector<1024x128xf32>
    %mul3A_12 = arith.mulf %slice3A, %mul3A : vector<1024x128xf32>
    %swap3A = arith.constant 0 : index
    %swap3A_13 = arith.constant 0 : index
    %swap3A_14 = vector.load %arg4[%swap3A, %swap3A_13] : memref<1024x128xf32, #tpu.memory_space<vmem>>, vector<1024x128xf32>
    tpu.vector_store %arg4[%swap3A, %swap3A_13], %mul3A_12 {strides = array<i32>} : memref<1024x128xf32, #tpu.memory_space<vmem>>, vector<1024x128xf32>,
    %slice3A_15 = vector.extract_strided_slice %dot_general3A_5 {offsets = [0, 128], sizes = [1024, 128], strides = [1, 1]} : vector<1024x256xf32> to vector<1024x128xf32>
    %swap3A_16 = arith.constant 0 : index
    %swap3A_17 = arith.constant 0 : index
    %swap3A_18 = vector.load %arg5[%swap3A_16, %swap3A_17] : memref<1024x128xf32, #tpu.memory_space<vmem>>, vector<1024x128xf32>
    tpu.vector_store %arg5[%swap3A_16, %swap3A_17], %slice3A_15 {strides = array<i32>} : memref<1024x128xf32, #tpu.memory_space<vmem>>, vector<1024x128xf32>,
    return
  }
  func.func @transform_0(%arg0: i32) -> (i32, i32) {
    %c0_i32 = arith.constant 0 : i32
    %c0_i32_0 = arith.constant 0 : i32
    return %arg0, %c0_i32 : i32, i32
  }
  func.func @transform_1(%arg0: i32) -> (i32, i32) {
    %c0_i32 = arith.constant 0 : i32
    %c0_i32_0 = arith.constant 0 : i32
    %c0_i32_1 = arith.constant 0 : i32
    return %c0_i32, %c0_i32_0 : i32, i32
  }
  func.func @transform_2(%arg0: i32) -> (i32, i32) {
    %c0_i32 = arith.constant 0 : i32
    %c0_i32_0 = arith.constant 0 : i32
    return %c0_i32, %arg0 : i32, i32
  }
  func.func @transform_3(%arg0: i32) -> (i32, i32) {
    %c0_i32 = arith.constant 0 : i32
    %c0_i32_0 = arith.constant 0 : i32
    return %arg0, %c0_i32 : i32, i32
  }
  func.func @transform_4(%arg0: i32) -> (i32, i32) {
    %c0_i32 = arith.constant 0 : i32
    %c0_i32_0 = arith.constant 0 : i32
    return %arg0, %c0_i32 : i32, i32
  }
}

module attributes {stable_mosaic.version = 14 : i64} {
  func.func @_k1c_body(%arg0: i32, %arg1: i32, %arg2: memref<1024x2048xf32, #tpu.memory_space<vmem>>, %arg3: memref<1024x2048xf8E4M3FN, #tpu.memory_space<vmem>>) attributes {dimension_semantics = [#tpu.dimension_semantics<arbitrary>, #tpu.dimension_semantics<arbitrary>], iteration_bounds = array<i64: 10, 5>, scalar_prefetch = 0 : i64, scratch_operands = 0 : i64, tpu.core_type = #tpu.core_type<tc>, window_params = [{transform_indices = @transform_0, window_bounds = array<i64: 1024, 2048>}, {transform_indices = @transform_1, window_bounds = array<i64: 1024, 2048>}]} {
    %get3A = arith.constant 0 : index
    %get3A_0 = arith.constant 0 : index
    %get3A_1 = vector.load %arg2[%get3A, %get3A_0] : memref<1024x2048xf32, #tpu.memory_space<vmem>>, vector<1024x2048xf32>
    %convert_element_type3A = arith.truncf %get3A_1 : vector<1024x2048xf32> to vector<1024x2048xf8E4M3FN>
    %swap3A = arith.constant 0 : index
    %swap3A_2 = arith.constant 0 : index
    %swap3A_3 = vector.load %arg3[%swap3A, %swap3A_2] : memref<1024x2048xf8E4M3FN, #tpu.memory_space<vmem>>, vector<1024x2048xf8E4M3FN>
    tpu.vector_store %arg3[%swap3A, %swap3A_2], %convert_element_type3A {strides = array<i32>} : memref<1024x2048xf8E4M3FN, #tpu.memory_space<vmem>>, vector<1024x2048xf8E4M3FN>,
    return
  }
  func.func @transform_0(%arg0: i32, %arg1: i32) -> (i32, i32) {
    %c0_i32 = arith.constant 0 : i32
    return %arg0, %arg1 : i32, i32
  }
  func.func @transform_1(%arg0: i32, %arg1: i32) -> (i32, i32) {
    %c0_i32 = arith.constant 0 : i32
    return %arg0, %arg1 : i32, i32
  }
}

module attributes {stable_mosaic.version = 14 : i64} {
  func.func @_k4_body(%arg0: i32, %arg1: i32, %arg2: memref<1024x10240xf8E4M3FN, #tpu.memory_space<vmem>>, %arg3: memref<10240x1024xf8E4M3FN, #tpu.memory_space<vmem>>, %arg4: memref<1024x1024xf8E4M3FN, #tpu.memory_space<vmem>>, %arg5: memref<8x1024xf32, #tpu.memory_space<vmem>>) attributes {dimension_semantics = [#tpu.dimension_semantics<arbitrary>, #tpu.dimension_semantics<arbitrary>], iteration_bounds = array<i64: 10, 10>, scalar_prefetch = 0 : i64, scratch_operands = 0 : i64, tpu.core_type = #tpu.core_type<tc>, window_params = [{transform_indices = @transform_0, window_bounds = array<i64: 1024, 10240>}, {transform_indices = @transform_1, window_bounds = array<i64: 10240, 1024>}, {transform_indices = @transform_2, window_bounds = array<i64: 1024, 1024>}, {transform_indices = @transform_3, window_bounds = array<i64: 8, 1024>}]} {
    %get3A = arith.constant 0 : index
    %get3A_0 = arith.constant 0 : index
    %get3A_1 = vector.load %arg2[%get3A, %get3A_0] : memref<1024x10240xf8E4M3FN, #tpu.memory_space<vmem>>, vector<1024x10240xf8E4M3FN>
    %get3A_2 = arith.constant 0 : index
    %get3A_3 = arith.constant 0 : index
    %get3A_4 = vector.load %arg3[%get3A_2, %get3A_3] : memref<10240x1024xf8E4M3FN, #tpu.memory_space<vmem>>, vector<10240x1024xf8E4M3FN>
    %dot_general3A = arith.constant dense<0.000000e+00> : vector<1024x1024xf32>
    %dot_general3A_5 = tpu.matmul %get3A_1, %get3A_4, %dot_general3A {dimension_numbers = #tpu.dot_dimension_numbers<[1], [0], [0], [1], [0, 0, 1, 1], [], []>, transpose_lhs_hint = false} : vector<1024x10240xf8E4M3FN>, vector<10240x1024xf8E4M3FN>, vector<1024x1024xf32> -> vector<1024x1024xf32>
    %gt3A = arith.constant 0.000000e+00 : f32
    %gt3A_6 = vector.broadcast %gt3A : f32 to vector<1024x1024xf32>
    %gt3A_7 = arith.cmpf ogt, %dot_general3A_5, %gt3A_6 : vector<1024x1024xf32>
    %convert_element_type3A = arith.extui %gt3A_7 : vector<1024x1024xi1> to vector<1024x1024xi32>
    %convert_element_type3A_8 = arith.sitofp %convert_element_type3A : vector<1024x1024xi32> to vector<1024x1024xf32>
    %convert_element_type3A_9 = arith.truncf %convert_element_type3A_8 : vector<1024x1024xf32> to vector<1024x1024xf8E4M3FN>
    %swap3A = arith.constant 0 : index
    %swap3A_10 = arith.constant 0 : index
    %swap3A_11 = vector.load %arg4[%swap3A, %swap3A_10] : memref<1024x1024xf8E4M3FN, #tpu.memory_space<vmem>>, vector<1024x1024xf8E4M3FN>
    tpu.vector_store %arg4[%swap3A, %swap3A_10], %convert_element_type3A_9 {strides = array<i32>} : memref<1024x1024xf8E4M3FN, #tpu.memory_space<vmem>>, vector<1024x1024xf8E4M3FN>,
    %convert_element_type3A_12 = arith.extui %gt3A_7 : vector<1024x1024xi1> to vector<1024x1024xi32>
    %convert_element_type3A_13 = arith.sitofp %convert_element_type3A_12 : vector<1024x1024xi32> to vector<1024x1024xf32>
    %reduce_sum3A = arith.constant dense<0.000000e+00> : vector<1024xf32>
    %reduce_sum3A_14 = vector.multi_reduction <add>, %convert_element_type3A_13, %reduce_sum3A [0] : vector<1024x1024xf32> to vector<1024xf32>
    %broadcast_in_dim3A = vector.shape_cast %reduce_sum3A_14 : vector<1024xf32> to vector<1x1024xf32>
    %broadcast_in_dim3A_15 = vector.shape_cast %broadcast_in_dim3A : vector<1x1024xf32> to vector<1x1024xf32>
    %broadcast_in_dim3A_16 = vector.broadcast %broadcast_in_dim3A_15 : vector<1x1024xf32> to vector<8x1024xf32>
    %eq3A = arith.constant 0 : i32
    %eq3A_17 = arith.cmpi eq, %arg1, %eq3A : i32
    %convert_element_type3A_18 = arith.extui %eq3A_17 : i1 to i32
    %cond3A = arith.constant 0 : i32
    %cond3A_19 = arith.cmpi ne, %convert_element_type3A_18, %cond3A : i32
    scf.if %cond3A_19 {
      %swap3A_24 = arith.constant 0 : index
      %swap3A_25 = arith.constant 0 : index
      %swap3A_26 = vector.load %arg5[%swap3A_24, %swap3A_25] : memref<8x1024xf32, #tpu.memory_space<vmem>>, vector<8x1024xf32>
      tpu.vector_store %arg5[%swap3A_24, %swap3A_25], %broadcast_in_dim3A_16 {strides = array<i32>} : memref<8x1024xf32, #tpu.memory_space<vmem>>, vector<8x1024xf32>,
    } else {
    }
    %ne3A = arith.constant 0 : i32
    %ne3A_20 = arith.cmpi ne, %arg1, %ne3A : i32
    %convert_element_type3A_21 = arith.extui %ne3A_20 : i1 to i32
    %cond3A_22 = arith.constant 0 : i32
    %cond3A_23 = arith.cmpi ne, %convert_element_type3A_21, %cond3A_22 : i32
    scf.if %cond3A_23 {
      %get3A_24 = arith.constant 0 : index
      %get3A_25 = arith.constant 0 : index
      %get3A_26 = vector.load %arg5[%get3A_24, %get3A_25] : memref<8x1024xf32, #tpu.memory_space<vmem>>, vector<8x1024xf32>
      %add3A = arith.addf %get3A_26, %broadcast_in_dim3A_16 : vector<8x1024xf32>
      %swap3A_27 = arith.constant 0 : index
      %swap3A_28 = arith.constant 0 : index
      %swap3A_29 = vector.load %arg5[%swap3A_27, %swap3A_28] : memref<8x1024xf32, #tpu.memory_space<vmem>>, vector<8x1024xf32>
      tpu.vector_store %arg5[%swap3A_27, %swap3A_28], %add3A {strides = array<i32>} : memref<8x1024xf32, #tpu.memory_space<vmem>>, vector<8x1024xf32>,
    } else {
    }
    return
  }
  func.func @transform_0(%arg0: i32, %arg1: i32) -> (i32, i32) {
    %c0_i32 = arith.constant 0 : i32
    %c0_i32_0 = arith.constant 0 : i32
    return %arg1, %c0_i32 : i32, i32
  }
  func.func @transform_1(%arg0: i32, %arg1: i32) -> (i32, i32) {
    %c0_i32 = arith.constant 0 : i32
    %c0_i32_0 = arith.constant 0 : i32
    return %c0_i32, %arg0 : i32, i32
  }
  func.func @transform_2(%arg0: i32, %arg1: i32) -> (i32, i32) {
    %c0_i32 = arith.constant 0 : i32
    return %arg1, %arg0 : i32, i32
  }
  func.func @transform_3(%arg0: i32, %arg1: i32) -> (i32, i32) {
    %c0_i32 = arith.constant 0 : i32
    %c0_i32_0 = arith.constant 0 : i32
    return %c0_i32, %arg0 : i32, i32
  }
}

module attributes {stable_mosaic.version = 14 : i64} {
  func.func @_k5a_body(%arg0: i32, %arg1: memref<8x1024xf32, #tpu.memory_space<vmem>>, %arg2: memref<1024x128xf32, #tpu.memory_space<vmem>>, %arg3: memref<1024x128xbf16, #tpu.memory_space<vmem>>) attributes {dimension_semantics = [#tpu.dimension_semantics<arbitrary>], iteration_bounds = array<i64: 10>, scalar_prefetch = 0 : i64, scratch_operands = 0 : i64, tpu.core_type = #tpu.core_type<tc>, window_params = [{transform_indices = @transform_0, window_bounds = array<i64: 8, 1024>}, {transform_indices = @transform_1, window_bounds = array<i64: 1024, 128>}, {transform_indices = @transform_2, window_bounds = array<i64: 1024, 128>}]} {
    %get3A = arith.constant 0 : index
    %get3A_0 = arith.constant 0 : index
    %get3A_1 = vector.load %arg1[%get3A, %get3A_0] : memref<8x1024xf32, #tpu.memory_space<vmem>>, vector<8x1024xf32>
    %slice3A = vector.extract_strided_slice %get3A_1 {offsets = [0, 0], sizes = [1, 1024], strides = [1, 1]} : vector<8x1024xf32> to vector<1x1024xf32>
    %squeeze3A = vector.shape_cast %slice3A : vector<1x1024xf32> to vector<1024xf32>
    %add3A = arith.constant 1.000000e+00 : f32
    %add3A_2 = vector.broadcast %add3A : f32 to vector<1024xf32>
    %add3A_3 = arith.addf %squeeze3A, %add3A_2 : vector<1024xf32>
    %rsqrt3A = math.rsqrt %add3A_3 : vector<1024xf32>
    %broadcast_in_dim3A = vector.shape_cast %rsqrt3A : vector<1024xf32> to vector<1024x1xf32>
    %get3A_4 = arith.constant 0 : index
    %get3A_5 = arith.constant 0 : index
    %get3A_6 = vector.load %arg2[%get3A_4, %get3A_5] : memref<1024x128xf32, #tpu.memory_space<vmem>>, vector<1024x128xf32>
    %mul3A = vector.broadcast %broadcast_in_dim3A : vector<1024x1xf32> to vector<1024x128xf32>
    %mul3A_7 = arith.mulf %get3A_6, %mul3A : vector<1024x128xf32>
    %convert_element_type3A = arith.truncf %mul3A_7 : vector<1024x128xf32> to vector<1024x128xbf16>
    %swap3A = arith.constant 0 : index
    %swap3A_8 = arith.constant 0 : index
    %swap3A_9 = vector.load %arg3[%swap3A, %swap3A_8] : memref<1024x128xbf16, #tpu.memory_space<vmem>>, vector<1024x128xbf16>
    tpu.vector_store %arg3[%swap3A, %swap3A_8], %convert_element_type3A {strides = array<i32>} : memref<1024x128xbf16, #tpu.memory_space<vmem>>, vector<1024x128xbf16>,
    return
  }
  func.func @transform_0(%arg0: i32) -> (i32, i32) {
    %c0_i32 = arith.constant 0 : i32
    %c0_i32_0 = arith.constant 0 : i32
    return %c0_i32, %arg0 : i32, i32
  }
  func.func @transform_1(%arg0: i32) -> (i32, i32) {
    %c0_i32 = arith.constant 0 : i32
    %c0_i32_0 = arith.constant 0 : i32
    return %arg0, %c0_i32 : i32, i32
  }
  func.func @transform_2(%arg0: i32) -> (i32, i32) {
    %c0_i32 = arith.constant 0 : i32
    %c0_i32_0 = arith.constant 0 : i32
    return %arg0, %c0_i32 : i32, i32
  }
}

module attributes {stable_mosaic.version = 14 : i64} {
  func.func @_k5_body(%arg0: i32, %arg1: i32, %arg2: memref<1024x1024xf8E4M3FN, #tpu.memory_space<vmem>>, %arg3: memref<1024x128xbf16, #tpu.memory_space<vmem>>, %arg4: memref<1024x128xf32, #tpu.memory_space<vmem>>) attributes {dimension_semantics = [#tpu.dimension_semantics<arbitrary>, #tpu.dimension_semantics<arbitrary>], iteration_bounds = array<i64: 10, 10>, scalar_prefetch = 0 : i64, scratch_operands = 0 : i64, tpu.core_type = #tpu.core_type<tc>, window_params = [{transform_indices = @transform_0, window_bounds = array<i64: 1024, 1024>}, {transform_indices = @transform_1, window_bounds = array<i64: 1024, 128>}, {transform_indices = @transform_2, window_bounds = array<i64: 1024, 128>}]} {
    %get3A = arith.constant 0 : index
    %get3A_0 = arith.constant 0 : index
    %get3A_1 = vector.load %arg2[%get3A, %get3A_0] : memref<1024x1024xf8E4M3FN, #tpu.memory_space<vmem>>, vector<1024x1024xf8E4M3FN>
    %get3A_2 = arith.constant 0 : index
    %get3A_3 = arith.constant 0 : index
    %get3A_4 = vector.load %arg3[%get3A_2, %get3A_3] : memref<1024x128xbf16, #tpu.memory_space<vmem>>, vector<1024x128xbf16>
    %convert_element_type3A = arith.truncf %get3A_4 : vector<1024x128xbf16> to vector<1024x128xf8E4M3FN>
    %dot_general3A = arith.constant dense<0.000000e+00> : vector<1024x128xf32>
    %dot_general3A_5 = tpu.matmul %get3A_1, %convert_element_type3A, %dot_general3A {dimension_numbers = #tpu.dot_dimension_numbers<[0], [0], [1], [1], [0, 1, 1, 1], [], []>, transpose_lhs_hint = false} : vector<1024x1024xf8E4M3FN>, vector<1024x128xf8E4M3FN>, vector<1024x128xf32> -> vector<1024x128xf32>
    %eq3A = arith.constant 0 : i32
    %eq3A_6 = arith.cmpi eq, %arg1, %eq3A : i32
    %convert_element_type3A_7 = arith.extui %eq3A_6 : i1 to i32
    %cond3A = arith.constant 0 : i32
    %cond3A_8 = arith.cmpi ne, %convert_element_type3A_7, %cond3A : i32
    scf.if %cond3A_8 {
      %swap3A = arith.constant 0 : index
      %swap3A_13 = arith.constant 0 : index
      %swap3A_14 = vector.load %arg4[%swap3A, %swap3A_13] : memref<1024x128xf32, #tpu.memory_space<vmem>>, vector<1024x128xf32>
      tpu.vector_store %arg4[%swap3A, %swap3A_13], %dot_general3A_5 {strides = array<i32>} : memref<1024x128xf32, #tpu.memory_space<vmem>>, vector<1024x128xf32>,
    } else {
    }
    %ne3A = arith.constant 0 : i32
    %ne3A_9 = arith.cmpi ne, %arg1, %ne3A : i32
    %convert_element_type3A_10 = arith.extui %ne3A_9 : i1 to i32
    %cond3A_11 = arith.constant 0 : i32
    %cond3A_12 = arith.cmpi ne, %convert_element_type3A_10, %cond3A_11 : i32
    scf.if %cond3A_12 {
      %get3A_13 = arith.constant 0 : index
      %get3A_14 = arith.constant 0 : index
      %get3A_15 = vector.load %arg4[%get3A_13, %get3A_14] : memref<1024x128xf32, #tpu.memory_space<vmem>>, vector<1024x128xf32>
      %add3A = arith.addf %get3A_15, %dot_general3A_5 : vector<1024x128xf32>
      %swap3A = arith.constant 0 : index
      %swap3A_16 = arith.constant 0 : index
      %swap3A_17 = vector.load %arg4[%swap3A, %swap3A_16] : memref<1024x128xf32, #tpu.memory_space<vmem>>, vector<1024x128xf32>
      tpu.vector_store %arg4[%swap3A, %swap3A_16], %add3A {strides = array<i32>} : memref<1024x128xf32, #tpu.memory_space<vmem>>, vector<1024x128xf32>,
    } else {
    }
    return
  }
  func.func @transform_0(%arg0: i32, %arg1: i32) -> (i32, i32) {
    %c0_i32 = arith.constant 0 : i32
    return %arg1, %arg0 : i32, i32
  }
  func.func @transform_1(%arg0: i32, %arg1: i32) -> (i32, i32) {
    %c0_i32 = arith.constant 0 : i32
    %c0_i32_0 = arith.constant 0 : i32
    return %arg1, %c0_i32 : i32, i32
  }
  func.func @transform_2(%arg0: i32, %arg1: i32) -> (i32, i32) {
    %c0_i32 = arith.constant 0 : i32
    %c0_i32_0 = arith.constant 0 : i32
    return %arg0, %c0_i32 : i32, i32
  }
}

module attributes {stable_mosaic.version = 14 : i64} {
  func.func @_k6_body(%arg0: i32, %arg1: memref<16x1024xf32, #tpu.memory_space<vmem>>, %arg2: memref<2x1024x128xf32, #tpu.memory_space<vmem>>, %arg3: memref<1024x128xf32, #tpu.memory_space<vmem>>, %arg4: memref<8x1024xf32, #tpu.memory_space<vmem>>, %arg5: memref<1024x128xf32, #tpu.memory_space<vmem>>, %arg6: memref<1024x128xbf16, #tpu.memory_space<vmem>>, %arg7: memref<1x128xf32, #tpu.memory_space<vmem>>, %arg8: memref<1x128xf32, #tpu.memory_space<vmem>>, %arg9: memref<1024x256xf32, #tpu.memory_space<vmem>>) attributes {dimension_semantics = [#tpu.dimension_semantics<arbitrary>], iteration_bounds = array<i64: 10>, scalar_prefetch = 0 : i64, scratch_operands = 0 : i64, tpu.core_type = #tpu.core_type<tc>, window_params = [{transform_indices = @transform_0, window_bounds = array<i64: 16, 1024>}, {transform_indices = @transform_1, window_bounds = array<i64: 2, 1024, 128>}, {transform_indices = @transform_2, window_bounds = array<i64: 1024, 128>}, {transform_indices = @transform_3, window_bounds = array<i64: 8, 1024>}, {transform_indices = @transform_4, window_bounds = array<i64: 1024, 128>}, {transform_indices = @transform_5, window_bounds = array<i64: 1024, 128>}, {pipeline_mode = #tpu.pipeline_mode<synchronous>, transform_indices = @transform_6, window_bounds = array<i64: 1, 128>}, {pipeline_mode = #tpu.pipeline_mode<synchronous>, transform_indices = @transform_7, window_bounds = array<i64: 1, 128>}, {transform_indices = @transform_8, window_bounds = array<i64: 1024, 256>}]} {
    %get3A = arith.constant 0 : index
    %get3A_0 = arith.constant 0 : index
    %get3A_1 = vector.load %arg1[%get3A, %get3A_0] : memref<16x1024xf32, #tpu.memory_space<vmem>>, vector<16x1024xf32>
    %reduce_sum3A = arith.constant dense<0.000000e+00> : vector<1024xf32>
    %reduce_sum3A_2 = vector.multi_reduction <add>, %get3A_1, %reduce_sum3A [0] : vector<16x1024xf32> to vector<1024xf32>
    %add3A = arith.constant 1.000000e+00 : f32
    %add3A_3 = vector.broadcast %add3A : f32 to vector<1024xf32>
    %add3A_4 = arith.addf %reduce_sum3A_2, %add3A_3 : vector<1024xf32>
    %rsqrt3A = math.rsqrt %add3A_4 : vector<1024xf32>
    %broadcast_in_dim3A = vector.shape_cast %rsqrt3A : vector<1024xf32> to vector<1024x1xf32>
    %get3A_5 = arith.constant 0 : index
    %get3A_6 = arith.constant 0 : index
    %get3A_7 = arith.constant 0 : index
    %get3A_8 = vector.load %arg2[%get3A_5, %get3A_6, %get3A_7] : memref<2x1024x128xf32, #tpu.memory_space<vmem>>, vector<2x1024x128xf32>
    %slice3A = vector.extract_strided_slice %get3A_8 {offsets = [0, 0, 0], sizes = [1, 1024, 128], strides = [1, 1, 1]} : vector<2x1024x128xf32> to vector<1x1024x128xf32>
    %squeeze3A = vector.shape_cast %slice3A : vector<1x1024x128xf32> to vector<1024x128xf32>
    %slice3A_9 = vector.extract_strided_slice %get3A_8 {offsets = [1, 0, 0], sizes = [1, 1024, 128], strides = [1, 1, 1]} : vector<2x1024x128xf32> to vector<1x1024x128xf32>
    %squeeze3A_10 = vector.shape_cast %slice3A_9 : vector<1x1024x128xf32> to vector<1024x128xf32>
    %add3A_11 = arith.addf %squeeze3A, %squeeze3A_10 : vector<1024x128xf32>
    %get3A_12 = arith.constant 0 : index
    %get3A_13 = arith.constant 0 : index
    %get3A_14 = vector.load %arg3[%get3A_12, %get3A_13] : memref<1024x128xf32, #tpu.memory_space<vmem>>, vector<1024x128xf32>
    %add3A_15 = arith.addf %add3A_11, %get3A_14 : vector<1024x128xf32>
    %mul3A = vector.broadcast %broadcast_in_dim3A : vector<1024x1xf32> to vector<1024x128xf32>
    %mul3A_16 = arith.mulf %mul3A, %add3A_15 : vector<1024x128xf32>
    %get3A_17 = arith.constant 0 : index
    %get3A_18 = arith.constant 0 : index
    %get3A_19 = vector.load %arg7[%get3A_17, %get3A_18] : memref<1x128xf32, #tpu.memory_space<vmem>>, vector<1x128xf32>
    %add3A_20 = vector.broadcast %get3A_19 : vector<1x128xf32> to vector<1024x128xf32>
    %add3A_21 = arith.addf %mul3A_16, %add3A_20 : vector<1024x128xf32>
    %get3A_22 = arith.constant 0 : index
    %get3A_23 = arith.constant 0 : index
    %get3A_24 = vector.load %arg4[%get3A_22, %get3A_23] : memref<8x1024xf32, #tpu.memory_space<vmem>>, vector<8x1024xf32>
    %slice3A_25 = vector.extract_strided_slice %get3A_24 {offsets = [0, 0], sizes = [1, 1024], strides = [1, 1]} : vector<8x1024xf32> to vector<1x1024xf32>
    %squeeze3A_26 = vector.shape_cast %slice3A_25 : vector<1x1024xf32> to vector<1024xf32>
    %add3A_27 = arith.constant 1.000000e+00 : f32
    %add3A_28 = vector.broadcast %add3A_27 : f32 to vector<1024xf32>
    %add3A_29 = arith.addf %squeeze3A_26, %add3A_28 : vector<1024xf32>
    %rsqrt3A_30 = math.rsqrt %add3A_29 : vector<1024xf32>
    %broadcast_in_dim3A_31 = vector.shape_cast %rsqrt3A_30 : vector<1024xf32> to vector<1024x1xf32>
    %get3A_32 = arith.constant 0 : index
    %get3A_33 = arith.constant 0 : index
    %get3A_34 = vector.load %arg5[%get3A_32, %get3A_33] : memref<1024x128xf32, #tpu.memory_space<vmem>>, vector<1024x128xf32>
    %get3A_35 = arith.constant 0 : index
    %get3A_36 = arith.constant 0 : index
    %get3A_37 = vector.load %arg6[%get3A_35, %get3A_36] : memref<1024x128xbf16, #tpu.memory_space<vmem>>, vector<1024x128xbf16>
    %convert_element_type3A = arith.extf %get3A_37 : vector<1024x128xbf16> to vector<1024x128xf32>
    %add3A_38 = arith.addf %get3A_34, %convert_element_type3A : vector<1024x128xf32>
    %mul3A_39 = vector.broadcast %broadcast_in_dim3A_31 : vector<1024x1xf32> to vector<1024x128xf32>
    %mul3A_40 = arith.mulf %mul3A_39, %add3A_38 : vector<1024x128xf32>
    %get3A_41 = arith.constant 0 : index
    %get3A_42 = arith.constant 0 : index
    %get3A_43 = vector.load %arg8[%get3A_41, %get3A_42] : memref<1x128xf32, #tpu.memory_space<vmem>>, vector<1x128xf32>
    %add3A_44 = vector.broadcast %get3A_43 : vector<1x128xf32> to vector<1024x128xf32>
    %add3A_45 = arith.addf %mul3A_40, %add3A_44 : vector<1024x128xf32>
    %mul3A_46 = arith.constant 9.900000e-01 : f32
    %mul3A_47 = vector.broadcast %mul3A_46 : f32 to vector<1024x128xf32>
    %mul3A_48 = arith.mulf %mul3A_47, %add3A_21 : vector<1024x128xf32>
    %mul3A_49 = arith.constant 0.00999999977 : f32
    %mul3A_50 = vector.broadcast %mul3A_49 : f32 to vector<1024x128xf32>
    %mul3A_51 = arith.mulf %mul3A_50, %add3A_45 : vector<1024x128xf32>
    %concatenate3A = tpu.concatenate %mul3A_48, %mul3A_51 in 1 : vector<1024x128xf32>, vector<1024x128xf32> -> vector<1024x256xf32>
    %swap3A = arith.constant 0 : index
    %swap3A_52 = arith.constant 0 : index
    %swap3A_53 = vector.load %arg9[%swap3A, %swap3A_52] : memref<1024x256xf32, #tpu.memory_space<vmem>>, vector<1024x256xf32>
    tpu.vector_store %arg9[%swap3A, %swap3A_52], %concatenate3A {strides = array<i32>} : memref<1024x256xf32, #tpu.memory_space<vmem>>, vector<1024x256xf32>,
    return
  }
  func.func @transform_0(%arg0: i32) -> (i32, i32) {
    %c0_i32 = arith.constant 0 : i32
    %c0_i32_0 = arith.constant 0 : i32
    return %c0_i32, %arg0 : i32, i32
  }
  func.func @transform_1(%arg0: i32) -> (i32, i32, i32) {
    %c0_i32 = arith.constant 0 : i32
    %c0_i32_0 = arith.constant 0 : i32
    %c0_i32_1 = arith.constant 0 : i32
    return %c0_i32, %arg0, %c0_i32_0 : i32, i32, i32
  }
  func.func @transform_2(%arg0: i32) -> (i32, i32) {
    %c0_i32 = arith.constant 0 : i32
    %c0_i32_0 = arith.constant 0 : i32
    return %arg0, %c0_i32 : i32, i32
  }
  func.func @transform_3(%arg0: i32) -> (i32, i32) {
    %c0_i32 = arith.constant 0 : i32
    %c0_i32_0 = arith.constant 0 : i32
    return %c0_i32, %arg0 : i32, i32
  }
  func.func @transform_4(%arg0: i32) -> (i32, i32) {
    %c0_i32 = arith.constant 0 : i32
    %c0_i32_0 = arith.constant 0 : i32
    return %arg0, %c0_i32 : i32, i32
  }
  func.func @transform_5(%arg0: i32) -> (i32, i32) {
    %c0_i32 = arith.constant 0 : i32
    %c0_i32_0 = arith.constant 0 : i32
    return %arg0, %c0_i32 : i32, i32
  }
  func.func @transform_6(%arg0: i32) -> (i32, i32) {
    %c0_i32 = arith.constant 0 : i32
    %c0_i32_0 = arith.constant 0 : i32
    %c0_i32_1 = arith.constant 0 : i32
    return %c0_i32, %c0_i32_0 : i32, i32
  }
  func.func @transform_7(%arg0: i32) -> (i32, i32) {
    %c0_i32 = arith.constant 0 : i32
    %c0_i32_0 = arith.constant 0 : i32
    %c0_i32_1 = arith.constant 0 : i32
    return %c0_i32, %c0_i32_0 : i32, i32
  }
  func.func @transform_8(%arg0: i32) -> (i32, i32) {
    %c0_i32 = arith.constant 0 : i32
    %c0_i32_0 = arith.constant 0 : i32
    return %arg0, %c0_i32 : i32, i32
  }
}

</mosaic_0001>

<sc_bundles>
// kernel: kernel.10.cloned.1.call-start
scs
__scs_entry_jumppad:
0x0: {  	(pc) =	sbr.rel $0x88, $3  }
0x1: {  	(tag) =	ssettag $0x0;
	lr =	simm.s32 $0x1  }
0x2: {  	[smem:$0x3F9B] =	sst lr;
	_ =	strace $0xD0000000  }
0x3: {  	_ = 	snop  }
0x4: {  	_ = 	snop  }
0x5: {  	_ = 	snop  }
0x6: {  	_ = 	snop  }
0x7: {  	_ = 	snop  }
__scs_overlays_trampoline_lowered:
0x8: {  	[smem:$0x3FAA] =	sst s0  }
0x9: {  	[smem:$0x3FAB] =	sst s1  }
0xa: {  	[smem:$0x3FAC] =	sst s2  }
0xb: {  	[smem:$0x3FAD] =	sst s3  }
0xc: {  	[smem:$0x3FAE] =	sst s4  }
0xd: {  	[smem:$0x3FAF] =	sst s5  }
0xe: {  	[smem:$0x3FB0] =	sst s6  }
0xf: {  	[smem:$0x3FB1] =	sst s7  }
0x10: {  	[smem:$0x3FB2] =	sst s8  }
0x11: {  	[smem:$0x3FB3] =	sst s9;
	s0 =	simm.s32 @!p0 $0x0  }
0x12: {  	s1 =	sld [smem:$0x3F99];
	s0 =	simm.s32 @p0 $0x1  }
0x13: {  	[smem:$0x3FB4] =	sst s0;
	s0 =	simm.s32 @!p1 $0x0  }
0x14: {  	s2 =	sld [smem:$0x3F98];
	s0 =	simm.s32 @p1 $0x1  }
0x15: {  	[smem:$0x3FB5] =	sst s0;
	s0 =	simm.s32 @!p2 $0x0  }
0x16: {  	s3 =	sld [smem:$0x3FDB];
	s0 =	simm.s32 @p2 $0x1  }
0x17: {  	s4 =	simm.s32 $0x1BF5;
	[smem:$0x3FB7] =	sst s0  }
0x18: {  	s0 =	sld [smem:$0x3F9A];
	_ =	swait.ge [sflag:s4], $0x0  }
0x19: {  	s7 =	sld [smem:$0x3F9B]  }
0x1a: {  	s8 =	sadd.s32 $0xFFFFE003, lr  }
0x1b: {  	s9 =	sadd.s32 $0xFFFFFEF7, lr;
	s5 =	simm.s32 $0xFFFFFFFF;
	p2 =	slt.u32 s8, $0xFFFFF086  }
0x1c: {  	p1 =	slt.u32 s9, $0xF7A;
	s5 =	simm.s32 @!p2 $0x0  }
0x1d: {  	s5 =	simm.s32 @p1 $0x1;
	p0 =	seq.s32 s7, s2  }
0x1e: {  	s7 =	smul.u32 @!p0 $0xF7A, s2;
	p2 =	seq.s32 @!p0 s5, $0x0  }
0x1f: {  	s9 =	smul.u32 $0xF7A, s1;
	s8 =	simm.s32 @!p0 $0x1BF5;
	p2 =	por !p2, p0  }
0x20: {  	[sflag:s8] =	ssyncset.s32 @!p0 $0xFFFFF086;
	s6 =	sadd.s32 @!p0 s3, s7;
	s7 =	simm.s32 @!p0 $0x108  }
0x21: {  	s3 =	sadd.s32 s3, s9;
	s6 =	sadd.s32 @!p0 $0x88, s6;
	s7 =	simm.s32 @p2 $0x1082  }
0x22: {  	[simem:s7], [sflag:s8] =	dma.local @!p0 [hbm:s6], $0xF7A  }
0x23: {  	s9 =	sor.u32 $0xD0000000, s2;
	s6 =	simm.s32 $0x108;
	_ =	swait.ge @!p0 [sflag:s8], $0x0  }
0x24: {  	s3 =	sadd.s32 $0x88, s3;
	s6 =	simm.s32 @!p1 $0x1082;
	[sflag:s4] =	ssyncset.s32 $0xFFFFF086  }
0x25: {  	[simem:s6], [sflag:s4] =	dma.local [hbm:s3], $0xF7A  }
0x26: {  	[smem:$0x3F9B] =	sst s1;
	(tag) =	ssettag s2;
	_ =	strace s9  }
0x27: {  	s1 =	sld [smem:$0x3FAB]  }
0x28: {  	s2 =	sld [smem:$0x3FAC]  }
0x29: {  	s4 =	sld [smem:$0x3FAE]  }
0x2a: {  	p0 =	seq.s32 s5, $0x0;
	s5 =	sld [smem:$0x3FAF]  }
0x2b: {  	s6 =	sld [smem:$0x3FB0]  }
0x2c: {  	s7 =	sld [smem:$0x3FB1]  }
0x2d: {  	s3 =	simm.s32 $0x108;
	s8 =	sld [smem:$0x3FB2]  }
0x2e: {  	s3 =	simm.s32 @!p0 $0x1082;
	s9 =	sld [smem:$0x3FB3]  }
0x2f: {  	lr =	sadd.s32 s0, s3;
	s0 =	sld [smem:$0x3FAA]  }
0x30: {  	s3 =	sld [smem:$0x3FAD]  }
0x31: {  	[smem:$0x3FB6] =	sst s10  }
0x32: {  	s10 =	sld [smem:$0x3FB4];
	_ =	sdelay $0x3  }
0x33: {  	p0 =	seq.s32 s10, $0x1;
	s10 =	sld [smem:$0x3FB6];
	_ =	sdelay $0x3  }
0x34: {  	[smem:$0x3FB6] =	sst s10  }
0x35: {  	s10 =	sld [smem:$0x3FB5];
	_ =	sdelay $0x3  }
0x36: {  	p1 =	seq.s32 s10, $0x1;
	s10 =	sld [smem:$0x3FB6];
	_ =	sdelay $0x3  }
0x37: {  	[smem:$0x3FB6] =	sst s10  }
0x38: {  	s10 =	sld [smem:$0x3FB7]  }
0x39: {  	_ = 	snop;
	(pc) =	sbr.ind lr, $3  }
0x3a: {  	_ = 	snop  }
0x3b: {  	_ = 	snop  }
0x3c: {  	p2 =	seq.s32 s10, $0x1;
	s10 =	sld [smem:$0x3FB6]  }
0x3d: {  	_ =	shalt  }
0x3e: {  	_ =	shalt  }
0x3f: {  	_ =	shalt  }
0x40: {  	_ =	shalt  }
0x41: {  	_ =	shalt  }
0x42: {  	_ =	shalt  }
0x43: {  	_ =	shalt  }
0x44: {  	_ =	shalt  }
0x45: {  	_ =	shalt  }
0x46: {  	_ =	shalt  }
0x47: {  	_ =	shalt  }
0x48: {  	_ =	shalt  }
0x49: {  	_ =	shalt  }
0x4a: {  	_ =	shalt  }
0x4b: {  	_ =	shalt  }
0x4c: {  	_ =	shalt  }
0x4d: {  	_ =	shalt  }
0x4e: {  	_ =	shalt  }
0x4f: {  	_ =	shalt  }
0x50: {  	_ =	shalt  }
0x51: {  	_ =	shalt  }
0x52: {  	_ =	shalt  }
0x53: {  	_ =	shalt  }
0x54: {  	_ =	shalt  }
0x55: {  	_ =	shalt  }
0x56: {  	_ =	shalt  }
0x57: {  	_ =	shalt  }
0x58: {  	_ =	shalt  }
0x59: {  	_ =	shalt  }
0x5a: {  	_ =	shalt  }
0x5b: {  	_ =	shalt  }
0x5c: {  	_ =	shalt  }
0x5d: {  	_ =	shalt  }
0x5e: {  	_ =	shalt  }
0x5f: {  	_ =	shalt  }
0x60: {  	_ =	shalt  }
0x61: {  	_ =	shalt  }
0x62: {  	_ =	shalt  }
0x63: {  	_ =	shalt  }
0x64: {  	_ =	shalt  }
0x65: {  	_ =	shalt  }
0x66: {  	_ =	shalt  }
0x67: {  	_ =	shalt  }
0x68: {  	_ =	shalt  }
0x69: {  	_ =	shalt  }
0x6a: {  	_ =	shalt  }
0x6b: {  	_ =	shalt  }
0x6c: {  	_ =	shalt  }
0x6d: {  	_ =	shalt  }
0x6e: {  	_ =	shalt  }
0x6f: {  	_ =	shalt  }
0x70: {  	_ =	shalt  }
0x71: {  	_ =	shalt  }
0x72: {  	_ =	shalt  }
0x73: {  	_ =	shalt  }
0x74: {  	_ =	shalt  }
0x75: {  	_ =	shalt  }
0x76: {  	_ =	shalt  }
0x77: {  	_ =	shalt  }
0x78: {  	_ =	shalt  }
0x79: {  	_ =	shalt  }
0x7a: {  	_ =	shalt  }
0x7b: {  	_ =	shalt  }
0x7c: {  	_ =	shalt  }
0x7d: {  	_ =	shalt  }
0x7e: {  	_ =	shalt  }
0x7f: {  	_ =	shalt  }
0x80: {  	_ =	shalt  }
0x81: {  	_ =	shalt  }
0x82: {  	_ =	shalt  }
0x83: {  	_ =	shalt  }
0x84: {  	_ =	shalt  }
0x85: {  	_ =	shalt  }
0x86: {  	_ =	shalt  }
0x87: {  	_ =	shalt  }
.Lfunc_end0:
.L_simem_size_0:
called_computation_lowered:
.L_overlay_start_0:
0x88: {  	s0 =	sld [smem:$0x3FD9]  }
0x89: {  	s1 =	sld [smem:$0x3FFE];
	_ =	sdelay $0x3  }
0x8a: {  	s0 =	sadd.s32 s1, s0  }
0x8b: {  	[smem:$0x3FC2] =	sst s0  }
0x8c: {  	_ = 	snop  }
0x8d: {  	s0 =	sld [smem:$0x3FD0];
	(tm) =	ssettm $0x1  }
0x8e: {  	s16 =	sld [smem:$0x3FFB];
	_ =	sdelay $0x3  }
0x8f: {  	_ =	strace s16  }
0x90: {  	s1 =	sld [smem:$0x3FFC];
	_ =	sdelay $0x3  }
0x91: {  	_ =	strace s1  }
0x92: {  	s1 =	sld [smem:$0x3FFD];
	_ =	sdelay $0x3  }
0x93: {  	_ =	strace s1  }
0x94: {  	_ =	strace $0x8FFFFFFF  }
0x95: {  	s17 =	sld [smem:$0x3FDB];
	_ =	sdelay $0x1  }
0x96: {  	s2 =	simm.s32 $_scs_section_size  }
0x97: {  	s3 =	simm.s32 $_size__tile_overlayer_lowered;
	s4 =	simm.s32 $_tile_overlayer_lowered  }
0x98: {  	s20 =	simm.s32 $0x1BFF;
	s19 =	sshll.u32 s4, $0x1;
	s1 =	sadd.s32 s2, s17  }
0x99: {  	s5 =	simm.s32 $0x0;
	s18 =	sshll.u32 s3, $0x1;
	s3 =	sadd.s32 s19, s1  }
0x9a: {  	[timem:s5], [sflag:s20] =	dma.local [hbm:s3], s18  }
0x9b: {  	_ =	swait.ge [sflag:s20], s18  }
0x9c: {  	s2 =	ssub.s32 $0x0, s18;
	[sflag:s20] =	ssyncset.done $0x0  }
0x9d: {  	[sflag:s20] =	ssyncadd.s32 s2;
	_ =	sdelay $0x1  }
0x9e: {  	s21 =	simm.s32 $0x1B8B  }
0x9f: {  	_ =	swait.ge [sflag:s21], $0x1  }
0xa0: {  	[sflag:s21] =	ssyncset.done $0x0  }
0xa1: {  	s23 =	simm.s32 $0x1B8E;
	s22 =	sld [smem:$0x3FFE];
	[sflag:s21] =	ssyncadd.s32 $0xFFFFFFFF  }
0xa2: {  	s24 =	simm.s32 $execute0_lowered;
	[smem:$0x3FD2] =	sst s23  }
0xa3: {  	s3 =	sshll.u32 s24, $0x1;
	_ =	strace $0x80000046;
	[dreg:$0x1] =	wrdreg $0xFFFFFFFF  }
0xa4: {  	s25 =	simm.s32 $_size_execute0_lowered;
	s1 =	sadd.s32 s1, s3;
	[dreg:$0x0] =	wrdreg $0x0  }
0xa5: {  	s3 =	sshll.u32 s25, $0x1;
	[dreg:$0x2] =	wrdreg s1  }
0xa6: {  	[dreg:$0x3] =	wrdreg s3  }
0xa7: {  	[dreg:$0x4] =	wrdreg $0xC0  }
0xa8: {  	_ =	task [dreg:s5], $0x5FFFF  }
0xa9: {  	[dreg:$0x1] =	wrdreg $0xFFFFFFFF  }
0xaa: {  	[dreg:$0x0] =	wrdreg $0x60  }
0xab: {  	[dreg:$0x2] =	wrdreg s22  }
0xac: {  	[dreg:$0x3] =	wrdreg s0  }
0xad: {  	[dreg:$0x4] =	wrdreg $0x9  }
0xae: {  	_ =	task.clear_ibuf [dreg:s5], $0x5FFFF;
	_ =	strace $0x90000046  }
0xaf: {  	s26 =	simm.s32 $0x9;
	_ =	strace $0x80000048  }
0xb0: {  	_ =	swait.ge [sflag:s26], $0x1  }
0xb1: {  	[sflag:s26] =	ssyncadd.s32 $0xFFFFFFFF  }
0xb2: {  	_ =	strace $0x90000048  }
0xb3: {  	_ =	sfence  }
0xb4: {  	s28 =	sld [smem:$0x0];
	_ =	sdelay $0x1  }
0xb5: {  	s29 =	srdreg.scid  }
0xb6: {  	s30 =	sshll.u32 s29, $0xD;
	s31 =	sshrl.u32 s29, $0x2  }
0xb7: {  	s2 =	sand.u32 $0x4000, s30;
	s1 =	sand.u32 $0x1, s29;
	s0 =	sadd.s32 s31, s28  }
0xb8: {  	s1 =	sor.u32 s2, s1;
	s0 =	sshll.u32 s0, $0x11  }
0xb9: {  	s0 =	sor.u32 s0, s1  }
0xba: {  	s0 =	sadd.s32 $0x8F2B, s0  }
0xbb: {  	[sflag:s0] =	ssyncadd.remote.s32 $0x1  }
0xbc: {  	_ =	sfence.sel $0xFFFF  }
0xbd: {  	[dreg:$0x0] =	wrdreg $0xFFFFFFFF;
	(pc) =	sbr.abs _section_cstart, $3  }
0xbe: {  	[dreg:$0x1] =	wrdreg $0xFFFFFFFF  }
0xbf: {  	_ =	task.clear_ibuf [dreg:s5], $0x2FFFF;
	_ =	strace $0x9FFFFFFF  }
0xc0: {  	(tm) =	ssettm $0x7FFFFFFF  }
0xc1: {  	_ =	shalt  }
tec
execute0_lowered:
.L_overlay_start_1:
0x0: {  	(tag) =	ssettag $0x1  }
0x1: {  	s6 =	rddreg [dreg:$0x0];
	s0 =	stileid.u32  }
0x2: {  	s2 =	rddreg [dreg:$0x1];
	s4 =	smul.u32 $0x500, s0  }
0x3: {  	s1 =	rddreg [dreg:$0x2];
	s3 =	simm.s32 $0x0  }
0x4: {  	[smem:$0x7FF] =	sst s3;
	s4 =	sadd.s32 s4, s6  }
0x5: {  	s7 =	simm.s32 $0x2;
	_ =	strace $0x80000047;
	s5 =	sadd.s32 $0xCC00, s4  }
0x6: {  	[tilespmem:s3], [sflag:$0x2] =	stream.linear.gather [hbm4b:s5+s3], $0x2800, $0x38;
	[tilespmem:$0x7980] =	vst v63  }
0x7: {  	_ =	swait.ge [sflag:s7], $0x2800  }
0x8: {  	[sflag:s7] =	ssyncset.done $0x0  }
0x9: {  	s30 =	simm.s32 $0x2800;
	s4 =	sadd.s32 $0x7C00, s4;
	[sflag:s7] =	ssyncadd.s32 $0xFFFFD800  }
0xa: {  	[tilespmem:s30], [sflag:$0x2] =	stream.linear.gather [hbm4b:s4+s3], $0x2800, $0x38;
	[tilespmem:$0x7980] =	vst v63  }
0xb: {  	_ =	swait.ge [sflag:s7], $0x2800  }
0xc: {  	[sflag:s7] =	ssyncset.done $0x0  }
0xd: {  	s31 =	sadd.s32 $0xC92200, s6;
	s4 =	simm.s32 $0x5000;
	[sflag:s7] =	ssyncadd.s32 $0xFFFFD800  }
0xe: {  	[tilespmem:s4], [sflag:$0x2] =	stream.linear.gather [hbm4b:s31+s3], $0x80, $0x38;
	[tilespmem:$0x7980] =	vst v63  }
0xf: {  	_ =	swait.ge [sflag:s7], $0x80  }
0x10: {  	[sflag:s7] =	ssyncset.done $0x0  }
0x11: {  	s8 =	sadd.s32 $0xC91C00, s6;
	s5 =	simm.s32 $0x5080;
	[sflag:s7] =	ssyncadd.s32 $0xFFFFFF80  }
0x12: {  	[tilespmem:s5], [sflag:$0x2] =	stream.linear.gather [hbm4b:s8+s3], $0x2900, $0x38;
	[tilespmem:$0x7980] =	vst v63  }
0x13: {  	_ =	swait.ge [sflag:s7], $0x2900  }
0x14: {  	[sflag:s7] =	ssyncset.done $0x0  }
0x15: {  	v0 =	vimm.f32 $1.000000000e+00;
	s6 =	sadd.s32 $0x11C00, s6;
	[sflag:s7] =	ssyncadd.s32 $0xFFFFD700;
	s7 =	simm.s32 $0x80  }
.LBB2_1:
0x16: {  	s8 =	sshra.s32 s3, $0x2  }
0x17: {  	[hbm4b:s6+s7] =	stream.indirect.scatter [tilespmem:s4], [sflag:$0x1], $0x1, s8, s7, $0xb8;
	[tilespmem:$0x7980] =	vst v63  }
0x18: {  	v1 =	vld [tilespmem:s8+$0x2800];
	_ =	sdelay $0x7  }
0x19: {  	[tilespmem:v1+s5+$0x0] =	vst.idx.add.f32.msk $0xffff, v0  }
0x1a: {  	v1 =	vld [tilespmem:s8+$0x2810];
	_ =	sdelay $0x7  }
0x1b: {  	[tilespmem:v1+s5+$0x0] =	vst.idx.add.f32.msk $0xffff, v0  }
0x1c: {  	v1 =	vld [tilespmem:s8+$0x2820];
	_ =	sdelay $0x7  }
0x1d: {  	[tilespmem:v1+s5+$0x0] =	vst.idx.add.f32.msk $0xffff, v0  }
0x1e: {  	v1 =	vld [tilespmem:s8+$0x2830];
	_ =	sdelay $0x7  }
0x1f: {  	[tilespmem:v1+s5+$0x0] =	vst.idx.add.f32.msk $0xffff, v0  }
0x20: {  	v1 =	vld [tilespmem:s8+$0x2840];
	_ =	sdelay $0x7  }
0x21: {  	[tilespmem:v1+s5+$0x0] =	vst.idx.add.f32.msk $0xffff, v0  }
0x22: {  	v1 =	vld [tilespmem:s8+$0x2850];
	_ =	sdelay $0x7  }
0x23: {  	[tilespmem:v1+s5+$0x0] =	vst.idx.add.f32.msk $0xffff, v0  }
0x24: {  	v1 =	vld [tilespmem:s8+$0x2860];
	_ =	sdelay $0x7  }
0x25: {  	[tilespmem:v1+s5+$0x0] =	vst.idx.add.f32.msk $0xffff, v0  }
0x26: {  	v1 =	vld [tilespmem:s8+$0x2870];
	_ =	sdelay $0x2  }
0x27: {  	p0 =	sne.s32 s3, $0x9E00  }
.Ltmp0:
0x28: {  	_ = 	snop;
	(pc) =	sbr.rel @p0 .LBB2_1-.Ltmp0, $2  }
0x29: {  	_ =	sdelay $0x2  }
0x2a: {  	s3 =	sadd.s32 $0x200, s3;
	[tilespmem:v1+s5+$0x0] =	vst.idx.add.f32.msk $0xffff, v0  }
0x2b: {  	s3 =	simm.s32 $0x1  }
0x2c: {  	_ =	swait.ge [sflag:s3], $0x80  }
0x2d: {  	s4 =	simm.s32 $0x4F;
	[sflag:s3] =	ssyncset.done $0x0  }
.LBB2_3:
0x2e: {  	p0 =	sne.s32 s4, $0x1;
	s4 =	sadd.s32 $0xFFFFFFFF, s4;
	[sflag:s3] =	ssyncadd.s32 $0xFFFFFF80  }
.Ltmp1:
0x2f: {  	(pc) =	sbr.rel @p0 .LBB2_3-.Ltmp1, $3  }
0x30: {  	_ =	sdelay $0x1  }
0x31: {  	_ =	swait.ge [sflag:s3], $0x80  }
0x32: {  	[sflag:s3] =	ssyncset.done $0x0  }
0x33: {  	s4 =	sshrl.u32 s0, $0x3  }
0x34: {  	s5 =	sshll.u32 s0, $0x7;
	s4 =	smul.u32 $0x14800, s4  }
0x35: {  	s5 =	sand.u32 $0x380, s5  }
0x36: {  	[sflag:s3] =	ssyncadd.s32 $0xFFFFFF80;
	s4 =	sor.u32 s5, s4  }
0x37: {  	s28 =	simm.s32 $0x80;
	s29 =	simm.s32 $0x400;
	s4 =	sshrl.u32 s4, $0x3  }
0x38: {  	s30 =	simm.s32 $0x5080;
	s31 =	simm.s32 $0x2;
	s2 =	sadd.s32 s2, s4  }
0x39: {  	[hbm4b:s2+s28] =	stream.strided.scatter [tilespmem:s30], [sflag:$0x2], $0x2900, s29, s28, $0x38;
	[tilespmem:$0x7980] =	vst v63  }
0x3a: {  	_ =	swait.ge [sflag:s31], $0x2900  }
0x3b: {  	[sflag:s31] =	ssyncset.done $0x0  }
0x3c: {  	[sflag:s31] =	ssyncadd.s32 $0xFFFFD700  }
0x3d: {  	_ =	sfence.sel $0x180000  }
0x3e: {  	[bflag:$0x0] =	sbarrier.arrive $0xFFFF  }
0x3f: {  	p0 =	sne.s32 s0, $0x0;
	_ =	strace $0x90000047  }
0x40: {  	s0 =	sadd.s32 @!p0 $0x100000, s1;
	[bflag:$0x2] =	sbarrier.arrive $0xFFFF  }
0x41: {  	[sflag:s0] =	ssyncadd.tile.s32 @!p0 $0x1;
	_ =	shalt  }
.Lfunc_end2:
_tile_overlayer_lowered:
.L_overlay_start_2:
0x42: {  	(tag) =	ssettag $0x2  }
0x43: {  	s0 =	rddreg [dreg:$0x0];
	s2 =	stileid.u32  }
0x44: {  	s1 =	rddreg [dreg:$0x1];
	p0 =	sne.s32 s2, $0x0  }
0x45: {  	s3 =	rddreg [dreg:$0x2];
	[bflag:$0x3] =	sbarrier.arrive $0xFFFF;
	s2 =	simm.s32 @!p0 $0x1C02  }
0x46: {  	[timem:s3], [sflag:s2] =	dma.local @!p0 [hbm:s0], s1  }
0x47: {  	s0 =	simm.s32 @!p0 $0x2  }
0x48: {  	_ =	swait.ge @!p0 [sflag:s0], s1  }
0x49: {  	s1 =	ssub.s32 @!p0 $0x0, s1;
	[sflag:s0] =	ssyncset.done @!p0 $0x0  }
0x4a: {  	[sflag:s0] =	ssyncadd.s32 @!p0 s1  }
0x4b: {  	[bflag:$0x3] =	sbarrier.arrive $0xFFFF  }
0x4c: {  	_ =	shalt  }

// kernel: kernel.13.cloned.1.call-start
scs
__scs_entry_jumppad:
0x0: {  	(pc) =	sbr.rel $0x88, $3  }
0x1: {  	(tag) =	ssettag $0x0;
	lr =	simm.s32 $0x1  }
0x2: {  	[smem:$0x3F9B] =	sst lr;
	_ =	strace $0xD0000000  }
0x3: {  	_ = 	snop  }
0x4: {  	_ = 	snop  }
0x5: {  	_ = 	snop  }
0x6: {  	_ = 	snop  }
0x7: {  	_ = 	snop  }
__scs_overlays_trampoline_lowered:
0x8: {  	[smem:$0x3FAA] =	sst s0  }
0x9: {  	[smem:$0x3FAB] =	sst s1  }
0xa: {  	[smem:$0x3FAC] =	sst s2  }
0xb: {  	[smem:$0x3FAD] =	sst s3  }
0xc: {  	[smem:$0x3FAE] =	sst s4  }
0xd: {  	[smem:$0x3FAF] =	sst s5  }
0xe: {  	[smem:$0x3FB0] =	sst s6  }
0xf: {  	[smem:$0x3FB1] =	sst s7  }
0x10: {  	[smem:$0x3FB2] =	sst s8  }
0x11: {  	[smem:$0x3FB3] =	sst s9;
	s0 =	simm.s32 @!p0 $0x0  }
0x12: {  	s1 =	sld [smem:$0x3F99];
	s0 =	simm.s32 @p0 $0x1  }
0x13: {  	[smem:$0x3FB4] =	sst s0;
	s0 =	simm.s32 @!p1 $0x0  }
0x14: {  	s2 =	sld [smem:$0x3F98];
	s0 =	simm.s32 @p1 $0x1  }
0x15: {  	[smem:$0x3FB5] =	sst s0;
	s0 =	simm.s32 @!p2 $0x0  }
0x16: {  	s3 =	sld [smem:$0x3FDB];
	s0 =	simm.s32 @p2 $0x1  }
0x17: {  	s4 =	simm.s32 $0x1BF5;
	[smem:$0x3FB7] =	sst s0  }
0x18: {  	s0 =	sld [smem:$0x3F9A];
	_ =	swait.ge [sflag:s4], $0x0  }
0x19: {  	s7 =	sld [smem:$0x3F9B]  }
0x1a: {  	s8 =	sadd.s32 $0xFFFFE003, lr  }
0x1b: {  	s9 =	sadd.s32 $0xFFFFFEF7, lr;
	s5 =	simm.s32 $0xFFFFFFFF;
	p2 =	slt.u32 s8, $0xFFFFF086  }
0x1c: {  	p1 =	slt.u32 s9, $0xF7A;
	s5 =	simm.s32 @!p2 $0x0  }
0x1d: {  	s5 =	simm.s32 @p1 $0x1;
	p0 =	seq.s32 s7, s2  }
0x1e: {  	s7 =	smul.u32 @!p0 $0xF7A, s2;
	p2 =	seq.s32 @!p0 s5, $0x0  }
0x1f: {  	s9 =	smul.u32 $0xF7A, s1;
	s8 =	simm.s32 @!p0 $0x1BF5;
	p2 =	por !p2, p0  }
0x20: {  	[sflag:s8] =	ssyncset.s32 @!p0 $0xFFFFF086;
	s6 =	sadd.s32 @!p0 s3, s7;
	s7 =	simm.s32 @!p0 $0x108  }
0x21: {  	s3 =	sadd.s32 s3, s9;
	s6 =	sadd.s32 @!p0 $0x88, s6;
	s7 =	simm.s32 @p2 $0x1082  }
0x22: {  	[simem:s7], [sflag:s8] =	dma.local @!p0 [hbm:s6], $0xF7A  }
0x23: {  	s9 =	sor.u32 $0xD0000000, s2;
	s6 =	simm.s32 $0x108;
	_ =	swait.ge @!p0 [sflag:s8], $0x0  }
0x24: {  	s3 =	sadd.s32 $0x88, s3;
	s6 =	simm.s32 @!p1 $0x1082;
	[sflag:s4] =	ssyncset.s32 $0xFFFFF086  }
0x25: {  	[simem:s6], [sflag:s4] =	dma.local [hbm:s3], $0xF7A  }
0x26: {  	[smem:$0x3F9B] =	sst s1;
	(tag) =	ssettag s2;
	_ =	strace s9  }
0x27: {  	s1 =	sld [smem:$0x3FAB]  }
0x28: {  	s2 =	sld [smem:$0x3FAC]  }
0x29: {  	s4 =	sld [smem:$0x3FAE]  }
0x2a: {  	p0 =	seq.s32 s5, $0x0;
	s5 =	sld [smem:$0x3FAF]  }
0x2b: {  	s6 =	sld [smem:$0x3FB0]  }
0x2c: {  	s7 =	sld [smem:$0x3FB1]  }
0x2d: {  	s3 =	simm.s32 $0x108;
	s8 =	sld [smem:$0x3FB2]  }
0x2e: {  	s3 =	simm.s32 @!p0 $0x1082;
	s9 =	sld [smem:$0x3FB3]  }
0x2f: {  	lr =	sadd.s32 s0, s3;
	s0 =	sld [smem:$0x3FAA]  }
0x30: {  	s3 =	sld [smem:$0x3FAD]  }
0x31: {  	[smem:$0x3FB6] =	sst s10  }
0x32: {  	s10 =	sld [smem:$0x3FB4];
	_ =	sdelay $0x3  }
0x33: {  	p0 =	seq.s32 s10, $0x1;
	s10 =	sld [smem:$0x3FB6];
	_ =	sdelay $0x3  }
0x34: {  	[smem:$0x3FB6] =	sst s10  }
0x35: {  	s10 =	sld [smem:$0x3FB5];
	_ =	sdelay $0x3  }
0x36: {  	p1 =	seq.s32 s10, $0x1;
	s10 =	sld [smem:$0x3FB6];
	_ =	sdelay $0x3  }
0x37: {  	[smem:$0x3FB6] =	sst s10  }
0x38: {  	s10 =	sld [smem:$0x3FB7]  }
0x39: {  	_ = 	snop;
	(pc) =	sbr.ind lr, $3  }
0x3a: {  	_ = 	snop  }
0x3b: {  	_ = 	snop  }
0x3c: {  	p2 =	seq.s32 s10, $0x1;
	s10 =	sld [smem:$0x3FB6]  }
0x3d: {  	_ =	shalt  }
0x3e: {  	_ =	shalt  }
0x3f: {  	_ =	shalt  }
0x40: {  	_ =	shalt  }
0x41: {  	_ =	shalt  }
0x42: {  	_ =	shalt  }
0x43: {  	_ =	shalt  }
0x44: {  	_ =	shalt  }
0x45: {  	_ =	shalt  }
0x46: {  	_ =	shalt  }
0x47: {  	_ =	shalt  }
0x48: {  	_ =	shalt  }
0x49: {  	_ =	shalt  }
0x4a: {  	_ =	shalt  }
0x4b: {  	_ =	shalt  }
0x4c: {  	_ =	shalt  }
0x4d: {  	_ =	shalt  }
0x4e: {  	_ =	shalt  }
0x4f: {  	_ =	shalt  }
0x50: {  	_ =	shalt  }
0x51: {  	_ =	shalt  }
0x52: {  	_ =	shalt  }
0x53: {  	_ =	shalt  }
0x54: {  	_ =	shalt  }
0x55: {  	_ =	shalt  }
0x56: {  	_ =	shalt  }
0x57: {  	_ =	shalt  }
0x58: {  	_ =	shalt  }
0x59: {  	_ =	shalt  }
0x5a: {  	_ =	shalt  }
0x5b: {  	_ =	shalt  }
0x5c: {  	_ =	shalt  }
0x5d: {  	_ =	shalt  }
0x5e: {  	_ =	shalt  }
0x5f: {  	_ =	shalt  }
0x60: {  	_ =	shalt  }
0x61: {  	_ =	shalt  }
0x62: {  	_ =	shalt  }
0x63: {  	_ =	shalt  }
0x64: {  	_ =	shalt  }
0x65: {  	_ =	shalt  }
0x66: {  	_ =	shalt  }
0x67: {  	_ =	shalt  }
0x68: {  	_ =	shalt  }
0x69: {  	_ =	shalt  }
0x6a: {  	_ =	shalt  }
0x6b: {  	_ =	shalt  }
0x6c: {  	_ =	shalt  }
0x6d: {  	_ =	shalt  }
0x6e: {  	_ =	shalt  }
0x6f: {  	_ =	shalt  }
0x70: {  	_ =	shalt  }
0x71: {  	_ =	shalt  }
0x72: {  	_ =	shalt  }
0x73: {  	_ =	shalt  }
0x74: {  	_ =	shalt  }
0x75: {  	_ =	shalt  }
0x76: {  	_ =	shalt  }
0x77: {  	_ =	shalt  }
0x78: {  	_ =	shalt  }
0x79: {  	_ =	shalt  }
0x7a: {  	_ =	shalt  }
0x7b: {  	_ =	shalt  }
0x7c: {  	_ =	shalt  }
0x7d: {  	_ =	shalt  }
0x7e: {  	_ =	shalt  }
0x7f: {  	_ =	shalt  }
0x80: {  	_ =	shalt  }
0x81: {  	_ =	shalt  }
0x82: {  	_ =	shalt  }
0x83: {  	_ =	shalt  }
0x84: {  	_ =	shalt  }
0x85: {  	_ =	shalt  }
0x86: {  	_ =	shalt  }
0x87: {  	_ =	shalt  }
.Lfunc_end0:
.L_simem_size_0:
called_computation.1_lowered:
.L_overlay_start_0:
0x88: {  	s2 =	sld [smem:$0x3FD9]  }
0x89: {  	s3 =	sld [smem:$0x3FFE];
	_ =	sdelay $0x1  }
0x8a: {  	s1 =	srdreg.scid  }
0x8b: {  	s0 =	sand.u32 $0x1, s1  }
0x8c: {  	s17 =	sshll.u32 s0, $0xA;
	s2 =	sadd.s32 s3, s2  }
0x8d: {  	s2 =	sadd.s32 s2, s17  }
0x8e: {  	[smem:$0x3FC2] =	sst s2  }
0x8f: {  	_ = 	snop  }
0x90: {  	s2 =	sld [smem:$0x3FD0];
	(tm) =	ssettm $0x1  }
0x91: {  	s18 =	sld [smem:$0x3FFB];
	_ =	sdelay $0x3  }
0x92: {  	_ =	strace s18  }
0x93: {  	s3 =	sld [smem:$0x3FFC];
	_ =	sdelay $0x3  }
0x94: {  	_ =	strace s3  }
0x95: {  	s3 =	sld [smem:$0x3FFD];
	_ =	sdelay $0x3  }
0x96: {  	_ =	strace s3  }
0x97: {  	_ =	strace $0x8FFFFFFF  }
0x98: {  	s19 =	sld [smem:$0x3FDB];
	_ =	sdelay $0x1  }
0x99: {  	s4 =	simm.s32 $_scs_section_size  }
0x9a: {  	s5 =	simm.s32 $_size__tile_overlayer_lowered;
	s6 =	simm.s32 $_tile_overlayer_lowered  }
0x9b: {  	s22 =	simm.s32 $0x1BFF;
	s21 =	sshll.u32 s6, $0x1;
	s3 =	sadd.s32 s4, s19  }
0x9c: {  	s7 =	simm.s32 $0x0;
	s20 =	sshll.u32 s5, $0x1;
	s5 =	sadd.s32 s21, s3  }
0x9d: {  	[timem:s7], [sflag:s22] =	dma.local [hbm:s5], s20  }
0x9e: {  	_ =	swait.ge [sflag:s22], s20  }
0x9f: {  	s4 =	ssub.s32 $0x0, s20;
	[sflag:s22] =	ssyncset.done $0x0  }
0xa0: {  	[sflag:s22] =	ssyncadd.s32 s4;
	_ =	sdelay $0x1  }
0xa1: {  	s23 =	simm.s32 $0x1B8B  }
0xa2: {  	_ =	swait.ge [sflag:s23], $0x1  }
0xa3: {  	[sflag:s23] =	ssyncset.done $0x0  }
0xa4: {  	s25 =	simm.s32 $0x1B8E;
	s24 =	sld [smem:$0x3FFE];
	[sflag:s23] =	ssyncadd.s32 $0xFFFFFFFF  }
0xa5: {  	s26 =	simm.s32 $execute0_lowered;
	[smem:$0x3FD2] =	sst s25  }
0xa6: {  	s5 =	sshll.u32 s26, $0x1;
	_ =	strace $0x80000049;
	[dreg:$0x1] =	wrdreg $0xFFFFFFFF  }
0xa7: {  	s28 =	simm.s32 $_size_execute0_lowered;
	s3 =	sadd.s32 s3, s5;
	[dreg:$0x0] =	wrdreg $0x0  }
0xa8: {  	s5 =	sshll.u32 s28, $0x1;
	[dreg:$0x2] =	wrdreg s3  }
0xa9: {  	[dreg:$0x3] =	wrdreg s5  }
0xaa: {  	[dreg:$0x4] =	wrdreg $0xC0  }
0xab: {  	_ =	task [dreg:s7], $0x5FFFF  }
0xac: {  	[dreg:$0x1] =	wrdreg $0xFFFFFFFF  }
0xad: {  	[dreg:$0x0] =	wrdreg $0x60  }
0xae: {  	[dreg:$0x2] =	wrdreg s2  }
0xaf: {  	[dreg:$0x3] =	wrdreg s24  }
0xb0: {  	[dreg:$0x4] =	wrdreg $0xA8000  }
0xb1: {  	[dreg:$0x5] =	wrdreg $0x9  }
0xb2: {  	_ =	task.clear_ibuf [dreg:s7], $0x6FFFF;
	_ =	strace $0x90000049  }
0xb3: {  	s29 =	simm.s32 $0x9;
	_ =	strace $0x8000004B  }
0xb4: {  	_ =	swait.ge [sflag:s29], $0x1  }
0xb5: {  	[sflag:s29] =	ssyncadd.s32 $0xFFFFFFFF  }
0xb6: {  	_ =	strace $0x9000004B  }
0xb7: {  	_ =	sfence  }
0xb8: {  	s30 =	sld [smem:$0x0];
	_ =	sdelay $0x2  }
0xb9: {  	s31 =	sshll.u32 s1, $0xD;
	s1 =	sshrl.u32 s1, $0x2  }
0xba: {  	s3 =	sand.u32 $0x4000, s31;
	s1 =	sadd.s32 s1, s30  }
0xbb: {  	s0 =	sor.u32 s3, s0;
	s1 =	sshll.u32 s1, $0x11  }
0xbc: {  	s0 =	sor.u32 s1, s0  }
0xbd: {  	s0 =	sadd.s32 $0x8F2B, s0  }
0xbe: {  	[sflag:s0] =	ssyncadd.remote.s32 $0x1  }
0xbf: {  	_ =	sfence.sel $0xFFFF  }
0xc0: {  	[dreg:$0x0] =	wrdreg $0xFFFFFFFF;
	(pc) =	sbr.abs _section_cstart, $3  }
0xc1: {  	[dreg:$0x1] =	wrdreg $0xFFFFFFFF  }
0xc2: {  	_ =	task.clear_ibuf [dreg:s7], $0x2FFFF;
	_ =	strace $0x9FFFFFFF  }
0xc3: {  	(tm) =	ssettm $0x7FFFFFFF  }
tec
execute0_lowered:
.L_overlay_start_1:
0x0: {  	(tag) =	ssettag $0x1  }
0x1: {  	s1 =	rddreg [dreg:$0x0]  }
0x2: {  	s0 =	srdreg.scid;
	s2 =	rddreg [dreg:$0x1]  }
0x3: {  	s8 =	stileid.u32;
	s3 =	rddreg [dreg:$0x2]  }
0x4: {  	s28 =	simm.s32 $0x2800;
	s29 =	simm.s32 $0x80;
	s7 =	smul.u32 $0x52000, s8  }
0x5: {  	s30 =	simm.s32 $0x6800;
	s31 =	simm.s32 $0x1;
	s10 =	smul.u32 $0x50000, s8  }
0x6: {  	s0 =	sand.u32 $0x1, s0;
	s4 =	sshll.u32 s8, $0x1;
	s23 =	smul.u32 $0x280, s8  }
0x7: {  	s9 =	sadd.s32 $0x2C00, s2;
	s5 =	sor.u32 s0, s4;
	s6 =	smul.u32 $0x28000, s0  }
0x8: {  	s4 =	simm.s32 $0x0;
	s0 =	ssub.s32 $0x2, s0;
	s5 =	smul.u32 $0x280, s5  }
0x9: {  	[smem:$0x7FF] =	sst s4;
	s20 =	sshrl.u32 s0, $0x1;
	s7 =	sshrl.u32 s7, $0x2  }
0xa: {  	s10 =	sshrl.u32 s10, $0x2;
	s24 =	sadd.s32 $0x80, s23;
	s18 =	sadd.s32 $0x100, s23  }
0xb: {  	s19 =	sadd.s32 $0x180, s23;
	_ =	strace $0x8000004A;
	[dreg:$0x4] =	wrdreg s9  }
0xc: {  	s0 =	ssub.s32 s0, s20;
	s10 =	sadd.s32 s10, s3;
	s16 =	sshll.u32 s24, $0x7  }
0xd: {  	s20 =	smul.u32 $0x2800, s8;
	s17 =	sshll.u32 s18, $0x7;
	s25 =	sshll.u32 s19, $0x7  }
0xe: {  	s5 =	sadd.s32 s5, s2;
	s2 =	sadd.s32 s6, s2;
	s6 =	sadd.s32 s7, s3  }
0xf: {  	s11 =	smax.u32 s0, $0x1;
	s16 =	sadd.s32 s16, s3;
	s0 =	sshll.u32 s24, $0x4  }
0x10: {  	s17 =	sadd.s32 s17, s3;
	s21 =	sadd.s32 $0xC92400, s5;
	s5 =	sadd.s32 $0x7C00, s5  }
0x11: {  	s22 =	sadd.s32 $0x14000, s6;
	s2 =	sadd.s32 $0xCBF400, s2;
	[dreg:$0x5] =	wrdreg s21  }
0x12: {  	s12 =	sadd.s32 $0x4000, s6;
	s13 =	sadd.s32 $0x8000, s6;
	[dreg:$0x6] =	wrdreg s5  }
0x13: {  	s14 =	sadd.s32 $0xC000, s6;
	s15 =	sadd.s32 $0x10000, s6;
	[dreg:$0x7] =	wrdreg s22  }
0x14: {  	s22 =	sshll.u32 s18, $0x4;
	s5 =	sadd.s32 $0x200, s23;
	s18 =	sadd.s32 s25, s3  }
0x15: {  	s23 =	sshll.u32 s19, $0x4;
	s20 =	sadd.s32 s20, s2;
	s21 =	sadd.s32 s0, s2  }
0x16: {  	s25 =	simm.s32 $0x3;
	s26 =	sshll.u32 s5, $0x7;
	s5 =	sshll.u32 s5, $0x4  }
0x17: {  	s22 =	sadd.s32 s22, s2;
	s23 =	sadd.s32 s23, s2;
	s19 =	sadd.s32 s26, s3  }
0x18: {  	s24 =	sadd.s32 s5, s2;
	s2 =	simm.s32 $0x2;
	s26 =	simm.s32 $0x0  }
.LBB2_1:
0x19: {  	s0 =	rddreg [dreg:$0x5]  }
0x1a: {  	[tilespmem:s4], [sflag:$0x3] =	stream.linear.gather [hbm4b:s0+s4], $0x1400, $0x38;
	[tilespmem:$0x1F000] =	vst v63  }
0x1b: {  	_ =	swait.ge [sflag:s25], $0x1400  }
0x1c: {  	[sflag:s25] =	ssyncset.done $0x0  }
0x1d: {  	s5 =	simm.s32 $0x1400;
	s7 =	rddreg [dreg:$0x6];
	[sflag:s25] =	ssyncadd.s32 $0xFFFFEC00  }
0x1e: {  	[tilespmem:s5], [sflag:$0x3] =	stream.linear.gather [hbm4b:s7+s4], $0x1400, $0x38;
	[tilespmem:$0x1F000] =	vst v63  }
0x1f: {  	_ =	swait.ge [sflag:s25], $0x1400  }
0x20: {  	[sflag:s25] =	ssyncset.done $0x0  }
0x21: {  	s8 =	rddreg [dreg:$0x4];
	[sflag:s25] =	ssyncadd.s32 $0xFFFFEC00  }
0x22: {  	[tilespmem:s28], [sflag:$0x3] =	stream.linear.gather [hbm4b:s8+s4], $0x4000, $0x38;
	[tilespmem:$0x1F000] =	vst v63  }
0x23: {  	_ =	swait.ge [sflag:s25], $0x4000  }
0x24: {  	[sflag:s25] =	ssyncset.done $0x0  }
0x25: {  	[sflag:s25] =	ssyncadd.s32 $0xFFFFC000  }
0x26: {  	[spmem:s6] =	stream.linear.scatter [tilespmem:s28], [sflag:$0x3], $0x4000, $0x38;
	[tilespmem:$0x1F000] =	vst v63  }
0x27: {  	_ =	swait.ge [sflag:s25], $0x4000  }
0x28: {  	[sflag:s25] =	ssyncset.done $0x0  }
0x29: {  	[sflag:s25] =	ssyncadd.s32 $0xFFFFC000  }
0x2a: {  	[spmem:s12] =	stream.linear.scatter [tilespmem:s28], [sflag:$0x3], $0x4000, $0x38;
	[tilespmem:$0x1F000] =	vst v63  }
0x2b: {  	_ =	swait.ge [sflag:s25], $0x4000  }
0x2c: {  	[sflag:s25] =	ssyncset.done $0x0  }
0x2d: {  	[sflag:s25] =	ssyncadd.s32 $0xFFFFC000  }
0x2e: {  	[spmem:s13] =	stream.linear.scatter [tilespmem:s28], [sflag:$0x3], $0x4000, $0x38;
	[tilespmem:$0x1F000] =	vst v63  }
0x2f: {  	_ =	swait.ge [sflag:s25], $0x4000  }
0x30: {  	[sflag:s25] =	ssyncset.done $0x0  }
0x31: {  	[sflag:s25] =	ssyncadd.s32 $0xFFFFC000  }
0x32: {  	[spmem:s14] =	stream.linear.scatter [tilespmem:s28], [sflag:$0x3], $0x4000, $0x38;
	[tilespmem:$0x1F000] =	vst v63  }
0x33: {  	_ =	swait.ge [sflag:s25], $0x4000  }
0x34: {  	[sflag:s25] =	ssyncset.done $0x0  }
0x35: {  	[sflag:s25] =	ssyncadd.s32 $0xFFFFC000  }
0x36: {  	[spmem:s15] =	stream.linear.scatter [tilespmem:s28], [sflag:$0x3], $0x4000, $0x38;
	[tilespmem:$0x1F000] =	vst v63  }
0x37: {  	_ =	swait.ge [sflag:s25], $0x4000  }
0x38: {  	[sflag:s25] =	ssyncset.done $0x0  }
0x39: {  	s9 =	rddreg [dreg:$0x7];
	[sflag:s25] =	ssyncadd.s32 $0xFFFFC000  }
0x3a: {  	[spmem:s9] =	stream.linear.scatter [tilespmem:s28], [sflag:$0x3], $0x800, $0x38;
	[tilespmem:$0x1F000] =	vst v63  }
0x3b: {  	_ =	swait.ge [sflag:s25], $0x800  }
0x3c: {  	[sflag:s25] =	ssyncset.done $0x0  }
0x3d: {  	[sflag:s25] =	ssyncadd.s32 $0xFFFFF800  }
0x3e: {  	[bflag:$0x0] =	sbarrier.arrive $0xFFFF  }
0x3f: {  	[tilespmem:s28], [sflag:$0x1] =	stream.indirect.gather [hbm4b:s1+s29], $0x80, s4, s29, $0xb8;
	[tilespmem:$0x1F000] =	vst v63  }
0x40: {  	s5 =	simm.s32 $0x80  }
0x41: {  	[tilespmem:s30], [sflag:$0x2] =	stream.indirect.gather [hbm4b:s1+s29], $0x80, s5, s29, $0xb8;
	[tilespmem:$0x1F000] =	vst v63  }
0x42: {  	_ =	swait.ge [sflag:s31], $0x4000  }
0x43: {  	[sflag:s31] =	ssyncset.done $0x0  }
0x44: {  	s7 =	simm.s32 $0x1400;
	[sflag:s31] =	ssyncadd.s32 $0xFFFFC000  }
0x45: {  	[spmem:s3] =	stream.indirect.scatter.add.f32 [tilespmem:s28], [sflag:$0x3], $0x80, s7, s29, $0xb8;
	[tilespmem:$0x1F000] =	vst v63  }
0x46: {  	_ =	swait.ge [sflag:s25], $0x4000  }
0x47: {  	[sflag:s25] =	ssyncset.done $0x0  }
0x48: {  	s8 =	simm.s32 $0x100;
	[sflag:s25] =	ssyncadd.s32 $0xFFFFC000  }
0x49: {  	[tilespmem:s28], [sflag:$0x1] =	stream.indirect.gather [hbm4b:s1+s29], $0x80, s8, s29, $0xb8;
	[tilespmem:$0x1F000] =	vst v63  }
0x4a: {  	_ =	swait.ge [sflag:s2], $0x4000  }
0x4b: {  	[sflag:s2] =	ssyncset.done $0x0  }
0x4c: {  	s9 =	simm.s32 $0x1480;
	[sflag:s2] =	ssyncadd.s32 $0xFFFFC000  }
0x4d: {  	[spmem:s3] =	stream.indirect.scatter.add.f32 [tilespmem:s30], [sflag:$0x3], $0x80, s9, s29, $0xb8;
	[tilespmem:$0x1F000] =	vst v63  }
0x4e: {  	_ =	swait.ge [sflag:s25], $0x4000  }
0x4f: {  	s0 =	simm.s32 $0x100;
	s5 =	simm.s32 $0x800;
	[sflag:s25] =	ssyncset.done $0x0  }
.LBB2_2:
0x50: {  	s7 =	sadd.s32 $0x80, s0  }
0x51: {  	[sflag:s25] =	ssyncadd.s32 $0xFFFFC000;
	s8 =	smov.u32 s5;
	s9 =	sadd.s32 $0x400, s5  }
0x52: {  	[tilespmem:s30], [sflag:$0x2] =	stream.indirect.gather [hbm4b:s1+s29], $0x80, s7, s29, $0xb8;
	[tilespmem:$0x1F000] =	vst v63  }
0x53: {  	p0 =	sne.s32 s5, $0x4800;
	_ =	swait.ge [sflag:s31], $0x4000  }
0x54: {  	[sflag:s31] =	ssyncset.done $0x0  }
0x55: {  	s5 =	sadd.s32 $0x1400, s0;
	[sflag:s31] =	ssyncadd.s32 $0xFFFFC000  }
0x56: {  	[spmem:s3] =	stream.indirect.scatter.add.f32 [tilespmem:s28], [sflag:$0x3], $0x80, s5, s29, $0xb8;
	[tilespmem:$0x1F000] =	vst v63  }
0x57: {  	_ =	swait.ge [sflag:s25], $0x4000  }
0x58: {  	[sflag:s25] =	ssyncset.done $0x0  }
0x59: {  	s5 =	sadd.s32 $0x100, s0;
	[sflag:s25] =	ssyncadd.s32 $0xFFFFC000  }
0x5a: {  	[tilespmem:s28], [sflag:$0x1] =	stream.indirect.gather [hbm4b:s1+s29], $0x80, s5, s29, $0xb8;
	[tilespmem:$0x1F000] =	vst v63  }
0x5b: {  	_ =	swait.ge [sflag:s2], $0x4000  }
.Ltmp0:
0x5c: {  	[sflag:s2] =	ssyncset.done $0x0;
	(pc) =	sbr.rel @p0 .LBB2_2-.Ltmp0, $4  }
0x5d: {  	s0 =	sadd.s32 $0x1480, s0;
	[sflag:s2] =	ssyncadd.s32 $0xFFFFC000  }
0x5e: {  	[spmem:s3] =	stream.indirect.scatter.add.f32 [tilespmem:s30], [sflag:$0x3], $0x80, s0, s29, $0xb8;
	[tilespmem:$0x1F000] =	vst v63  }
0x5f: {  	_ =	swait.ge [sflag:s25], $0x4000  }
0x60: {  	s5 =	smov.u32 s9;
	s0 =	sshra.s32 s8, $0x2;
	[sflag:s25] =	ssyncset.done $0x0  }
0x61: {  	s5 =	sadd.s32 $0x80, s0;
	[sflag:s25] =	ssyncadd.s32 $0xFFFFC000  }
0x62: {  	[tilespmem:s30], [sflag:$0x2] =	stream.indirect.gather [hbm4b:s1+s29], $0x80, s5, s29, $0xb8;
	[tilespmem:$0x1F000] =	vst v63  }
0x63: {  	_ =	swait.ge [sflag:s31], $0x4000  }
0x64: {  	[sflag:s31] =	ssyncset.done $0x0  }
0x65: {  	s8 =	sadd.s32 $0x1400, s0;
	[sflag:s31] =	ssyncadd.s32 $0xFFFFC000  }
0x66: {  	[spmem:s3] =	stream.indirect.scatter.add.f32 [tilespmem:s28], [sflag:$0x3], $0x80, s8, s29, $0xb8;
	[tilespmem:$0x1F000] =	vst v63  }
0x67: {  	_ =	swait.ge [sflag:s25], $0x4000  }
0x68: {  	[sflag:s25] =	ssyncset.done $0x0  }
0x69: {  	s9 =	sadd.s32 $0x100, s0;
	[sflag:s25] =	ssyncadd.s32 $0xFFFFC000  }
0x6a: {  	[tilespmem:s28], [sflag:$0x1] =	stream.indirect.gather [hbm4b:s1+s29], $0x80, s9, s29, $0xb8;
	[tilespmem:$0x1F000] =	vst v63  }
0x6b: {  	_ =	swait.ge [sflag:s2], $0x4000  }
0x6c: {  	[sflag:s2] =	ssyncset.done $0x0  }
0x6d: {  	s5 =	sadd.s32 $0x1480, s0;
	[sflag:s2] =	ssyncadd.s32 $0xFFFFC000  }
0x6e: {  	[spmem:s3] =	stream.indirect.scatter.add.f32 [tilespmem:s30], [sflag:$0x3], $0x80, s5, s29, $0xb8;
	[tilespmem:$0x1F000] =	vst v63  }
0x6f: {  	_ =	swait.ge [sflag:s25], $0x4000  }
0x70: {  	[sflag:s25] =	ssyncset.done $0x0  }
0x71: {  	s7 =	simm.s32 $0x1380;
	[sflag:s25] =	ssyncadd.s32 $0xFFFFC000  }
0x72: {  	[tilespmem:s30], [sflag:$0x2] =	stream.indirect.gather [hbm4b:s1+s29], $0x80, s7, s29, $0xb8;
	[tilespmem:$0x1F000] =	vst v63  }
0x73: {  	_ =	swait.ge [sflag:s31], $0x4000  }
0x74: {  	[sflag:s31] =	ssyncset.done $0x0  }
0x75: {  	s8 =	simm.s32 $0x2700;
	[sflag:s31] =	ssyncadd.s32 $0xFFFFC000  }
0x76: {  	[spmem:s3] =	stream.indirect.scatter.add.f32 [tilespmem:s28], [sflag:$0x3], $0x80, s8, s29, $0xb8;
	[tilespmem:$0x1F000] =	vst v63  }
0x77: {  	_ =	swait.ge [sflag:s25], $0x4000  }
0x78: {  	[sflag:s25] =	ssyncset.done $0x0  }
0x79: {  	[sflag:s25] =	ssyncadd.s32 $0xFFFFC000  }
0x7a: {  	_ =	swait.ge [sflag:s2], $0x4000  }
0x7b: {  	[sflag:s2] =	ssyncset.done $0x0  }
0x7c: {  	s9 =	simm.s32 $0x2780;
	[sflag:s2] =	ssyncadd.s32 $0xFFFFC000  }
0x7d: {  	[spmem:s3] =	stream.indirect.scatter.add.f32 [tilespmem:s30], [sflag:$0x3], $0x80, s9, s29, $0xb8;
	[tilespmem:$0x1F000] =	vst v63  }
0x7e: {  	_ =	swait.ge [sflag:s25], $0x4000  }
0x7f: {  	[sflag:s25] =	ssyncset.done $0x0  }
0x80: {  	[sflag:s25] =	ssyncadd.s32 $0xFFFFC000  }
0x81: {  	[bflag:$0x0] =	sbarrier.arrive $0xFFFF  }
0x82: {  	[tilespmem:s28], [sflag:$0x3] =	stream.linear.gather [spmem:s10], $0x4000, $0x38;
	[tilespmem:$0x1F000] =	vst v63  }
0x83: {  	_ =	swait.ge [sflag:s25], $0x4000  }
0x84: {  	[sflag:s25] =	ssyncset.done $0x0  }
0x85: {  	[sflag:s25] =	ssyncadd.s32 $0xFFFFC000  }
0x86: {  	[hbm4b:s20+s4] =	stream.linear.scatter [tilespmem:s28], [sflag:$0x3], $0x4000, $0x38;
	[tilespmem:$0x1F000] =	vst v63  }
0x87: {  	_ =	swait.ge [sflag:s25], $0x4000  }
0x88: {  	[sflag:s25] =	ssyncset.done $0x0  }
0x89: {  	[sflag:s25] =	ssyncadd.s32 $0xFFFFC000  }
0x8a: {  	[tilespmem:s28], [sflag:$0x3] =	stream.linear.gather [spmem:s16], $0x4000, $0x38;
	[tilespmem:$0x1F000] =	vst v63  }
0x8b: {  	_ =	swait.ge [sflag:s25], $0x4000  }
0x8c: {  	[sflag:s25] =	ssyncset.done $0x0  }
0x8d: {  	[sflag:s25] =	ssyncadd.s32 $0xFFFFC000  }
0x8e: {  	[hbm4b:s21+s4] =	stream.linear.scatter [tilespmem:s28], [sflag:$0x3], $0x4000, $0x38;
	[tilespmem:$0x1F000] =	vst v63  }
0x8f: {  	_ =	swait.ge [sflag:s25], $0x4000  }
0x90: {  	[sflag:s25] =	ssyncset.done $0x0  }
0x91: {  	[sflag:s25] =	ssyncadd.s32 $0xFFFFC000  }
0x92: {  	[tilespmem:s28], [sflag:$0x3] =	stream.linear.gather [spmem:s17], $0x4000, $0x38;
	[tilespmem:$0x1F000] =	vst v63  }
0x93: {  	_ =	swait.ge [sflag:s25], $0x4000  }
0x94: {  	[sflag:s25] =	ssyncset.done $0x0  }
0x95: {  	[sflag:s25] =	ssyncadd.s32 $0xFFFFC000  }
0x96: {  	[hbm4b:s22+s4] =	stream.linear.scatter [tilespmem:s28], [sflag:$0x3], $0x4000, $0x38;
	[tilespmem:$0x1F000] =	vst v63  }
0x97: {  	_ =	swait.ge [sflag:s25], $0x4000  }
0x98: {  	[sflag:s25] =	ssyncset.done $0x0  }
0x99: {  	[sflag:s25] =	ssyncadd.s32 $0xFFFFC000  }
0x9a: {  	[tilespmem:s28], [sflag:$0x3] =	stream.linear.gather [spmem:s18], $0x4000, $0x38;
	[tilespmem:$0x1F000] =	vst v63  }
0x9b: {  	_ =	swait.ge [sflag:s25], $0x4000  }
0x9c: {  	[sflag:s25] =	ssyncset.done $0x0  }
0x9d: {  	[sflag:s25] =	ssyncadd.s32 $0xFFFFC000  }
0x9e: {  	[hbm4b:s23+s4] =	stream.linear.scatter [tilespmem:s28], [sflag:$0x3], $0x4000, $0x38;
	[tilespmem:$0x1F000] =	vst v63  }
0x9f: {  	_ =	swait.ge [sflag:s25], $0x4000  }
0xa0: {  	[sflag:s25] =	ssyncset.done $0x0  }
0xa1: {  	[sflag:s25] =	ssyncadd.s32 $0xFFFFC000  }
0xa2: {  	[tilespmem:s28], [sflag:$0x3] =	stream.linear.gather [spmem:s19], $0x4000, $0x38;
	[tilespmem:$0x1F000] =	vst v63  }
0xa3: {  	s26 =	sadd.s32 $0x1, s26;
	_ =	swait.ge [sflag:s25], $0x4000  }
0xa4: {  	p0 =	sne.s32 s26, s11;
	[sflag:s25] =	ssyncset.done $0x0  }
.Ltmp1:
0xa5: {  	[sflag:s25] =	ssyncadd.s32 $0xFFFFC000;
	(pc) =	sbr.rel @p0 .LBB2_1-.Ltmp1, $4  }
0xa6: {  	[hbm4b:s24+s4] =	stream.linear.scatter [tilespmem:s28], [sflag:$0x3], $0x4000, $0x38;
	[tilespmem:$0x1F000] =	vst v63  }
0xa7: {  	_ =	swait.ge [sflag:s25], $0x4000  }
0xa8: {  	[sflag:s25] =	ssyncset.done $0x0  }
0xa9: {  	[sflag:s25] =	ssyncadd.s32 $0xFFFFC000  }
0xaa: {  	_ =	sfence.sel $0x180000  }
0xab: {  	[bflag:$0x0] =	sbarrier.arrive $0xFFFF  }
0xac: {  	_ =	strace $0x9000004A  }
0xad: {  	s0 =	stileid.u32;
	[bflag:$0x2] =	sbarrier.arrive $0xFFFF  }
0xae: {  	p0 =	sne.s32 s0, $0x0;
	s0 =	rddreg [dreg:$0x3]  }
0xaf: {  	s0 =	sadd.s32 @!p0 $0x100000, s0  }
0xb0: {  	[sflag:s0] =	ssyncadd.tile.s32 @!p0 $0x1;
	_ =	shalt  }
.Lfunc_end2:
_tile_overlayer_lowered:
.L_overlay_start_2:
0xb1: {  	(tag) =	ssettag $0x2  }
0xb2: {  	s0 =	rddreg [dreg:$0x0];
	s2 =	stileid.u32  }
0xb3: {  	s1 =	rddreg [dreg:$0x1];
	p0 =	sne.s32 s2, $0x0  }
0xb4: {  	s3 =	rddreg [dreg:$0x2];
	[bflag:$0x3] =	sbarrier.arrive $0xFFFF;
	s2 =	simm.s32 @!p0 $0x1C03  }
0xb5: {  	[timem:s3], [sflag:s2] =	dma.local @!p0 [hbm:s0], s1  }
0xb6: {  	s0 =	simm.s32 @!p0 $0x3  }
0xb7: {  	_ =	swait.ge @!p0 [sflag:s0], s1  }
0xb8: {  	s1 =	ssub.s32 @!p0 $0x0, s1;
	[sflag:s0] =	ssyncset.done @!p0 $0x0  }
0xb9: {  	[sflag:s0] =	ssyncadd.s32 @!p0 s1  }
0xba: {  	[bflag:$0x3] =	sbarrier.arrive $0xFFFF  }
0xbb: {  	_ =	shalt  }

</sc_bundles>
